<compile_context>
chip_gen: v7x
topology: tpu7x:2x2x1
jax: 0.10.2.dev20260603
libtpu: 0.0.44.dev20260713+nightly
codegen_flags: <defaults>
</compile_context>

<pallas_src>
import functools

import jax
import jax.numpy as jnp
from jax import lax
from jax.experimental import pallas as pl
from jax.experimental.pallas import tpu as pltpu
from jax.experimental.pallas import tpu_sc as plsc

LANES = 16


@functools.lru_cache(maxsize=None)
def _build_sc_call(batch: int, fields: int, emb_dim: int):
    NW = 32
    bw = batch // NW
    chunk = 128
    tb_w = bw // chunk
    n_units = fields * tb_w
    te_n = emb_dim // 8
    assert bw * NW == batch and tb_w * chunk == bw and n_units % 2 == 0

    mesh = plsc.VectorSubcoreMesh(core_axis_name="c", subcore_axis_name="s")

    @functools.partial(
        pl.kernel,
        out_type=jax.ShapeDtypeStruct(
            (fields, te_n, batch // chunk, 8, chunk), jnp.float32),
        mesh=mesh,
        compiler_params=pltpu.CompilerParams(use_tc_tiling_on_sc=False,
                                             needs_layout_passes=False),
        scratch_types=[
            pltpu.VMEM((fields, bw), jnp.int32),
            pltpu.VMEM((fields, bw), jnp.int32),
            pltpu.VMEM((chunk, emb_dim), jnp.float32),
            pltpu.VMEM((chunk, emb_dim), jnp.float32),
            pltpu.VMEM((chunk, emb_dim), jnp.float32),
            pltpu.VMEM((chunk, emb_dim), jnp.float32),
            pltpu.VMEM((te_n, 8, chunk), jnp.float32),
            pltpu.VMEM((te_n, 8, chunk), jnp.float32),
            pltpu.SemaphoreType.DMA,
            pltpu.SemaphoreType.DMA,
            pltpu.SemaphoreType.DMA,
            pltpu.SemaphoreType.DMA,
        ],
    )
    def sc_call(idx1_hbm, idx2_hbm, emb1_hbm, emb2_hbm, out_hbm,
                idx1_v, idx2_v, r1a, r1b, r2a, r2b, ta, tb,
                sg_a, sg_b, so_a, so_b):
        r1 = (r1a, r1b)
        r2 = (r2a, r2b)
        tbuf = (ta, tb)
        sg = (sg_a, sg_b)
        so = (so_a, so_b)

        wid = lax.axis_index("s") * 2 + lax.axis_index("c")
        b0 = wid * bw
        pltpu.sync_copy(idx1_hbm.at[pl.ds(0, fields), pl.ds(b0, bw)], idx1_v)
        pltpu.sync_copy(idx2_hbm.at[pl.ds(0, fields), pl.ds(b0, bw)], idx2_v)

        iota16 = lax.iota(jnp.int32, 16)
        sev = iota16 & 7
        tev = [(iota16 + 16 * h) >> 3 for h in range(emb_dim // 16)]

        def fire_gathers(u, slot):
            f = u // tb_w
            off = (u % tb_w) * chunk
            pltpu.async_copy(
                emb1_hbm.at[idx1_v.at[f, pl.ds(off, chunk)]],
                r1[slot], sg[slot])
            pltpu.async_copy(
                emb2_hbm.at[idx2_v.at[f, pl.ds(off, chunk)]],
                r2[slot], sg[slot])

        def drain_gathers(slot):
            pltpu.make_async_copy(
                emb1_hbm.at[pl.ds(0, chunk)], r1[slot], sg[slot]).wait()
            pltpu.make_async_copy(
                emb1_hbm.at[pl.ds(0, chunk)], r2[slot], sg[slot]).wait()

        def drain_out(slot):
            pltpu.make_async_copy(
                tbuf[slot], out_hbm.at[0, 0, pl.ds(0, te_n)],
                so[slot]).wait()

        def compute(slot):
            a, b2, t = r1[slot], r2[slot], tbuf[slot]

            def row(l, c):
                lv = jnp.full((16,), l, jnp.int32)
                for h in range(emb_dim // 16):
                    v1 = a[l, pl.ds(h * 16, 16)]
                    v2 = b2[l, pl.ds(h * 16, 16)]
                    plsc.store_scatter(t, [tev[h], sev, lv], v1 * v2)
                return c

            lax.fori_loop(0, chunk, row, 0, unroll=4)

        fire_gathers(0, 0)
        fire_gathers(1, 1)

        def step(i, carry):
            for slot in range(2):
                u = 2 * i + slot
                f = u // tb_w
                tbi = wid * tb_w + u % tb_w
                drain_gathers(slot)

                @pl.when(i > 0)
                def _():
                    drain_out(slot)

                compute(slot)

                @pl.when(u + 2 < n_units)
                def _():
                    fire_gathers(u + 2, slot)

                for te in range(te_n):
                    pltpu.async_copy(
                        tbuf[slot].at[pl.ds(te, 1)],
                        out_hbm.at[f, te, pl.ds(tbi, 1)],
                        so[slot])
            return carry

        lax.fori_loop(0, n_units // 2, step, 0)
        drain_out(0)
        drain_out(1)

    return sc_call


TR_C = 4096


@functools.lru_cache(maxsize=None)
def _build_transpose_call(n_tab: int, emb_dim: int):
    rows_per_srow = 128 // emb_dim
    C = TR_C
    grid = (n_tab + 4 * C - 1) // (4 * C)
    s_rows = grid * C
    max_blk = (n_tab + C - 1) // C - 1

    def body(*refs):
        in_refs, out_ref = refs[:rows_per_srow], refs[rows_per_srow]
        for j in range(rows_per_srow):
            out_ref[:, j * emb_dim:(j + 1) * emb_dim] = jnp.transpose(
                in_refs[j][...])

    return pl.pallas_call(
        body,
        grid=(grid,),
        in_specs=[
            pl.BlockSpec((emb_dim, C),
                         lambda i, j=j: (0, jnp.minimum(4 * i + j, max_blk)))
            for j in range(rows_per_srow)
        ],
        out_specs=pl.BlockSpec((C, 128), lambda i: (i, 0)),
        out_shape=jax.ShapeDtypeStruct((s_rows, 128), jnp.float32),
    )


def kernel(first, second, emb1, emb2):
    b, f = first.shape
    emb_dim = emb1.shape[1]
    n_tab = emb1.shape[0]
    C = TR_C

    def remap(i):
        i = i.astype(jnp.int32)
        return ((i & ~(4 * C - 1)) + 4 * (i & (C - 1))
                + ((i >> C.bit_length() - 1) & 3))

    idx1 = remap(first).T
    idx2 = remap(second).T
    tr_call = _build_transpose_call(n_tab, emb_dim)
    e1t, e2t = emb1.T, emb2.T
    s1 = tr_call(e1t, e1t, e1t, e1t)
    s2 = tr_call(e2t, e2t, e2t, e2t)
    e1 = s1.reshape(-1, emb_dim)
    e2 = s2.reshape(-1, emb_dim)
    sc_call = _build_sc_call(b, f, emb_dim)
    out5 = sc_call(idx1, idx2, e1, e2)
    return jnp.transpose(out5, (2, 4, 0, 1, 3)).reshape(b, f, emb_dim)

# --- scband reference (transcript-rebuilt; emitter-appended) ---
"""Pipeline reference for scband-interac-78700980731936 (READ-ONLY COPY).

The authoritative reference and input builder live on the scoring server;
editing this copy changes nothing except your own understanding.
"""

import jax, jax.numpy as jnp
import numpy as np

FIRST_SIZE = 1000000
SECOND_SIZE = 1000000
EMB_SIZE = 32
BATCH = 16384
FIELDS = 26


def setup_inputs(seed: int = 0) -> dict:
    key = jax.random.key(seed)
    k1, k2, k3, k4 = jax.random.split(key, 4)
    first = jax.random.randint(k1, (BATCH, FIELDS), 0, FIRST_SIZE, dtype=jnp.int64 if jax.config.jax_enable_x64 else jnp.int32)
    second = jax.random.randint(k2, (BATCH, FIELDS), 0, SECOND_SIZE, dtype=jnp.int64 if jax.config.jax_enable_x64 else jnp.int32)
    # emb1 initialized N(0, 1e-5) per nn.init.normal_(self.emb1.weight, mean=0, std=1e-05)
    emb1 = jax.random.normal(k3, (FIRST_SIZE, EMB_SIZE), dtype=jnp.float32) * 1e-05
    # emb2 keeps torch default nn.Embedding init: N(0, 1)
    emb2 = jax.random.normal(k4, (SECOND_SIZE, EMB_SIZE), dtype=jnp.float32)
    return {"first": first, "second": second, "emb1": emb1, "emb2": emb2}


def reference(first, second, emb1, emb2):
    first_emb = jnp.take(emb1, first, axis=0)   # [B, F, E]
    second_emb = jnp.take(emb2, second, axis=0)  # [B, F, E]
    y = first_emb * second_emb
    return y

if __name__ == "__main__":
    import jax
    _d = setup_inputs()
    print(jax.jit(kernel)(*tuple(_d.values())))

</pallas_src>

<mosaic_0001>
#map = affine_map<(d0, d1) -> (0, 0)>
#map1 = affine_map<(d0, d1) -> (0, 0, 0, 0, 0)>
module attributes {stable_mosaic.version = 14 : i64} {
  func.func @sc_call(%arg0: i32, %arg1: i32, %arg2: memref<26x16384xi32, #tpu.memory_space<hbm>>, %arg3: memref<26x16384xi32, #tpu.memory_space<hbm>>, %arg4: memref<1015808x32xf32, #tpu.memory_space<hbm>>, %arg5: memref<1015808x32xf32, #tpu.memory_space<hbm>>, %arg6: memref<26x4x128x8x128xf32, #tpu.memory_space<hbm>>, %arg7: memref<26x512xi32, #tpu.memory_space<vmem>>, %arg8: memref<26x512xi32, #tpu.memory_space<vmem>>, %arg9: memref<128x32xf32, #tpu.memory_space<vmem>>, %arg10: memref<128x32xf32, #tpu.memory_space<vmem>>, %arg11: memref<128x32xf32, #tpu.memory_space<vmem>>, %arg12: memref<128x32xf32, #tpu.memory_space<vmem>>, %arg13: memref<4x8x128xf32, #tpu.memory_space<vmem>>, %arg14: memref<4x8x128xf32, #tpu.memory_space<vmem>>, %arg15: memref<!tpu.dma_semaphore, #tpu.memory_space<semaphore_mem>>, %arg16: memref<!tpu.dma_semaphore, #tpu.memory_space<semaphore_mem>>, %arg17: memref<!tpu.dma_semaphore, #tpu.memory_space<semaphore_mem>>, %arg18: memref<!tpu.dma_semaphore, #tpu.memory_space<semaphore_mem>>) attributes {dimension_semantics = [#tpu.dimension_semantics<core_parallel>, #tpu.dimension_semantics<subcore_parallel>], iteration_bounds = array<i64: 2, 16>, scalar_prefetch = 0 : i64, scratch_operands = 12 : i64, tpu.core_type = #tpu.core_type<sc_vector_subcore>, window_params = [{transform_indices = #map}, {transform_indices = #map}, {transform_indices = #map}, {transform_indices = #map}, {transform_indices = #map1}]} {
    %mul3A = arith.constant 2 : i32
    %mul3A_0 = arith.muli %arg1, %mul3A : i32
    %add3A = arith.addi %mul3A_0, %arg0 : i32
    %mul3A_1 = arith.constant 512 : i32
    %mul3A_2 = arith.muli %add3A, %mul3A_1 : i32
    "tpu.region"() ({
      %run_scoped3A = tpu.sem_alloc : memref<!tpu.dma_semaphore, #tpu.memory_space<semaphore_mem>>
      %dma_start3A_71 = arith.constant 0 : i32
      %dma_start3A_72 = tpu.memref_slice %arg2[%dma_start3A_71, %mul3A_2] : memref<26x16384xi32, #tpu.memory_space<hbm>> -> memref<26x512xi32, #tpu.memory_space<hbm>>
      %dma_start3A_73 = arith.constant 0 : i32
      %dma_start3A_74 = tpu.memref_slice %arg2[%dma_start3A_73, %mul3A_2] : memref<26x16384xi32, #tpu.memory_space<hbm>> -> memref<26x512xi32, #tpu.memory_space<hbm>>
      tpu.enqueue_dma source(%dma_start3A_74 : memref<26x512xi32, #tpu.memory_space<hbm>>) target(%arg7 : memref<26x512xi32, #tpu.memory_space<vmem>>) target_semaphore(%run_scoped3A : memref<!tpu.dma_semaphore, #tpu.memory_space<semaphore_mem>>)
      %dma_wait3A_75 = arith.constant 0 : i32
      %dma_wait3A_76 = tpu.memref_slice %arg2[%dma_wait3A_75, %mul3A_2] : memref<26x16384xi32, #tpu.memory_space<hbm>> -> memref<26x512xi32, #tpu.memory_space<hbm>>
      %dma_wait3A_77 = arith.constant 0 : i32
      %dma_wait3A_78 = tpu.memref_slice %arg2[%dma_wait3A_77, %mul3A_2] : memref<26x16384xi32, #tpu.memory_space<hbm>> -> memref<26x512xi32, #tpu.memory_space<hbm>>
      tpu.wait_dma2 semaphore(%run_scoped3A : memref<!tpu.dma_semaphore, #tpu.memory_space<semaphore_mem>>) src(%dma_wait3A_78 : memref<26x512xi32, #tpu.memory_space<hbm>>) dst(%arg7 : memref<26x512xi32, #tpu.memory_space<vmem>>)
      tpu.yield
    }) : () -> ()
    "tpu.region"() ({
      %run_scoped3A = tpu.sem_alloc : memref<!tpu.dma_semaphore, #tpu.memory_space<semaphore_mem>>
      %dma_start3A_71 = arith.constant 0 : i32
      %dma_start3A_72 = tpu.memref_slice %arg3[%dma_start3A_71, %mul3A_2] : memref<26x16384xi32, #tpu.memory_space<hbm>> -> memref<26x512xi32, #tpu.memory_space<hbm>>
      %dma_start3A_73 = arith.constant 0 : i32
      %dma_start3A_74 = tpu.memref_slice %arg3[%dma_start3A_73, %mul3A_2] : memref<26x16384xi32, #tpu.memory_space<hbm>> -> memref<26x512xi32, #tpu.memory_space<hbm>>
      tpu.enqueue_dma source(%dma_start3A_74 : memref<26x512xi32, #tpu.memory_space<hbm>>) target(%arg8 : memref<26x512xi32, #tpu.memory_space<vmem>>) target_semaphore(%run_scoped3A : memref<!tpu.dma_semaphore, #tpu.memory_space<semaphore_mem>>)
      %dma_wait3A_75 = arith.constant 0 : i32
      %dma_wait3A_76 = tpu.memref_slice %arg3[%dma_wait3A_75, %mul3A_2] : memref<26x16384xi32, #tpu.memory_space<hbm>> -> memref<26x512xi32, #tpu.memory_space<hbm>>
      %dma_wait3A_77 = arith.constant 0 : i32
      %dma_wait3A_78 = tpu.memref_slice %arg3[%dma_wait3A_77, %mul3A_2] : memref<26x16384xi32, #tpu.memory_space<hbm>> -> memref<26x512xi32, #tpu.memory_space<hbm>>
      tpu.wait_dma2 semaphore(%run_scoped3A : memref<!tpu.dma_semaphore, #tpu.memory_space<semaphore_mem>>) src(%dma_wait3A_78 : memref<26x512xi32, #tpu.memory_space<hbm>>) dst(%arg8 : memref<26x512xi32, #tpu.memory_space<vmem>>)
      tpu.yield
    }) : () -> ()
    %iota3A = tpu.iota {dimensions = array<i32: 0>} : vector<16xi32>
    %and3A = arith.constant 7 : i32
    %and3A_3 = vector.broadcast %and3A : i32 to vector<16xi32>
    %and3A_4 = arith.andi %iota3A, %and3A_3 : vector<16xi32>
    %add3A_5 = arith.constant 0 : i32
    %add3A_6 = vector.broadcast %add3A_5 : i32 to vector<16xi32>
    %add3A_7 = arith.addi %iota3A, %add3A_6 : vector<16xi32>
    %shift_right_arithmetic3A = arith.constant 3 : i32
    %shift_right_arithmetic3A_8 = vector.broadcast %shift_right_arithmetic3A : i32 to vector<16xi32>
    %shift_right_arithmetic3A_9 = arith.shrsi %add3A_7, %shift_right_arithmetic3A_8 : vector<16xi32>
    %add3A_10 = arith.constant 16 : i32
    %add3A_11 = vector.broadcast %add3A_10 : i32 to vector<16xi32>
    %add3A_12 = arith.addi %iota3A, %add3A_11 : vector<16xi32>
    %shift_right_arithmetic3A_13 = arith.constant 3 : i32
    %shift_right_arithmetic3A_14 = vector.broadcast %shift_right_arithmetic3A_13 : i32 to vector<16xi32>
    %shift_right_arithmetic3A_15 = arith.shrsi %add3A_12, %shift_right_arithmetic3A_14 : vector<16xi32>
    %dma_start3A = arith.constant 0 : i32
    %dma_start3A_16 = arith.constant 0 : i32
    %dma_start3A_17 = tpu.memref_slice %arg7[%dma_start3A, %dma_start3A_16] : memref<26x512xi32, #tpu.memory_space<vmem>> -> memref<1x128xi32, #tpu.memory_space<vmem>>
    %dma_start3A_18 = tpu.memref_squeeze %dma_start3A_17 : memref<1x128xi32, #tpu.memory_space<vmem>> -> memref<128xi32, #tpu.memory_space<vmem>>
    %dma_start3A_19 = arith.constant 0 : i32
    %dma_start3A_20 = arith.constant 0 : i32
    %dma_start3A_21 = tpu.memref_slice %arg4[%dma_start3A_19, %dma_start3A_20] : memref<1015808x32xf32, #tpu.memory_space<hbm>> -> memref<1015808x32xf32, #tpu.memory_space<hbm>>
    tpu.enqueue_indirect_dma source(%dma_start3A_21 : memref<1015808x32xf32, #tpu.memory_space<hbm>>) target(%arg9 : memref<128x32xf32, #tpu.memory_space<vmem>>) offsets(%dma_start3A_18 : memref<128xi32, #tpu.memory_space<vmem>>) semaphore(%arg15 : memref<!tpu.dma_semaphore, #tpu.memory_space<semaphore_mem>>)
    %dma_start3A_22 = arith.constant 0 : i32
    %dma_start3A_23 = arith.constant 0 : i32
    %dma_start3A_24 = tpu.memref_slice %arg8[%dma_start3A_22, %dma_start3A_23] : memref<26x512xi32, #tpu.memory_space<vmem>> -> memref<1x128xi32, #tpu.memory_space<vmem>>
    %dma_start3A_25 = tpu.memref_squeeze %dma_start3A_24 : memref<1x128xi32, #tpu.memory_space<vmem>> -> memref<128xi32, #tpu.memory_space<vmem>>
    %dma_start3A_26 = arith.constant 0 : i32
    %dma_start3A_27 = arith.constant 0 : i32
    %dma_start3A_28 = tpu.memref_slice %arg5[%dma_start3A_26, %dma_start3A_27] : memref<1015808x32xf32, #tpu.memory_space<hbm>> -> memref<1015808x32xf32, #tpu.memory_space<hbm>>
    tpu.enqueue_indirect_dma source(%dma_start3A_28 : memref<1015808x32xf32, #tpu.memory_space<hbm>>) target(%arg11 : memref<128x32xf32, #tpu.memory_space<vmem>>) offsets(%dma_start3A_25 : memref<128xi32, #tpu.memory_space<vmem>>) semaphore(%arg15 : memref<!tpu.dma_semaphore, #tpu.memory_space<semaphore_mem>>)
    %dma_start3A_29 = arith.constant 0 : i32
    %dma_start3A_30 = arith.constant 128 : i32
    %dma_start3A_31 = tpu.memref_slice %arg7[%dma_start3A_29, %dma_start3A_30] : memref<26x512xi32, #tpu.memory_space<vmem>> -> memref<1x128xi32, #tpu.memory_space<vmem>>
    %dma_start3A_32 = tpu.memref_squeeze %dma_start3A_31 : memref<1x128xi32, #tpu.memory_space<vmem>> -> memref<128xi32, #tpu.memory_space<vmem>>
    %dma_start3A_33 = arith.constant 0 : i32
    %dma_start3A_34 = arith.constant 0 : i32
    %dma_start3A_35 = tpu.memref_slice %arg4[%dma_start3A_33, %dma_start3A_34] : memref<1015808x32xf32, #tpu.memory_space<hbm>> -> memref<1015808x32xf32, #tpu.memory_space<hbm>>
    tpu.enqueue_indirect_dma source(%dma_start3A_35 : memref<1015808x32xf32, #tpu.memory_space<hbm>>) target(%arg10 : memref<128x32xf32, #tpu.memory_space<vmem>>) offsets(%dma_start3A_32 : memref<128xi32, #tpu.memory_space<vmem>>) semaphore(%arg16 : memref<!tpu.dma_semaphore, #tpu.memory_space<semaphore_mem>>)
    %dma_start3A_36 = arith.constant 0 : i32
    %dma_start3A_37 = arith.constant 128 : i32
    %dma_start3A_38 = tpu.memref_slice %arg8[%dma_start3A_36, %dma_start3A_37] : memref<26x512xi32, #tpu.memory_space<vmem>> -> memref<1x128xi32, #tpu.memory_space<vmem>>
    %dma_start3A_39 = tpu.memref_squeeze %dma_start3A_38 : memref<1x128xi32, #tpu.memory_space<vmem>> -> memref<128xi32, #tpu.memory_space<vmem>>
    %dma_start3A_40 = arith.constant 0 : i32
    %dma_start3A_41 = arith.constant 0 : i32
    %dma_start3A_42 = tpu.memref_slice %arg5[%dma_start3A_40, %dma_start3A_41] : memref<1015808x32xf32, #tpu.memory_space<hbm>> -> memref<1015808x32xf32, #tpu.memory_space<hbm>>
    tpu.enqueue_indirect_dma source(%dma_start3A_42 : memref<1015808x32xf32, #tpu.memory_space<hbm>>) target(%arg12 : memref<128x32xf32, #tpu.memory_space<vmem>>) offsets(%dma_start3A_39 : memref<128xi32, #tpu.memory_space<vmem>>) semaphore(%arg16 : memref<!tpu.dma_semaphore, #tpu.memory_space<semaphore_mem>>)
    %scan3A = arith.constant 0 : i32
    %scan3A_43 = arith.constant 0 : i32
    %scan3A_44 = arith.constant 52 : i32
    %scan3A_45 = arith.addi %scan3A_43, %scan3A_44 : i32
    %scan3A_46 = arith.constant 1 : i32
    scf.for %scan3A_71 = %scan3A_43 to %scan3A_45 step %scan3A_46  : i32 {
      %mul3A_72 = arith.constant 2 : i32
      %mul3A_73 = arith.muli %mul3A_72, %scan3A_71 : i32
      %add3A_74 = arith.constant 0 : i32
      %add3A_75 = arith.addi %mul3A_73, %add3A_74 : i32
      %jit3A = arith.constant 4 : i32
      %div3A = arith.divsi %add3A_75, %jit3A : i32
      %sign3A = arith.constant 0 : i32
      %sign3A_76 = arith.cmpi sgt, %add3A_75, %sign3A : i32
      %sign3A_77 = arith.extui %sign3A_76 : i1 to i32
      %sign3A_78 = arith.constant 0 : i32
      %sign3A_79 = arith.cmpi slt, %add3A_75, %sign3A_78 : i32
      %sign3A_80 = arith.extui %sign3A_79 : i1 to i32
      %sign3A_81 = arith.subi %sign3A_77, %sign3A_80 : i32
      %sign3A_82 = arith.constant 0 : i32
      %sign3A_83 = arith.cmpi sgt, %jit3A, %sign3A_82 : i32
      %sign3A_84 = arith.extui %sign3A_83 : i1 to i32
      %sign3A_85 = arith.constant 0 : i32
      %sign3A_86 = arith.cmpi slt, %jit3A, %sign3A_85 : i32
      %sign3A_87 = arith.extui %sign3A_86 : i1 to i32
      %sign3A_88 = arith.subi %sign3A_84, %sign3A_87 : i32
      %ne3A = arith.cmpi ne, %sign3A_81, %sign3A_88 : i32
      %rem3A = arith.remsi %add3A_75, %jit3A : i32
      %ne3A_89 = arith.constant 0 : i32
      %ne3A_90 = arith.cmpi ne, %rem3A, %ne3A_89 : i32
      %and3A_91 = arith.andi %ne3A, %ne3A_90 : i1
      %sub3A = arith.constant 1 : i32
      %sub3A_92 = arith.subi %div3A, %sub3A : i32
      %select_n3A = arith.select %and3A_91, %sub3A_92, %div3A : i32
      %mul3A_93 = arith.constant 4 : i32
      %mul3A_94 = arith.muli %add3A, %mul3A_93 : i32
      %jit3A_95 = arith.constant 4 : i32
      %eq3A = arith.constant 0 : i32
      %eq3A_96 = arith.cmpi eq, %jit3A_95, %eq3A : i32
      %jit3A_97 = arith.constant 1 : i32
      %select_n3A_98 = arith.select %eq3A_96, %jit3A_97, %jit3A_95 : i32
      %rem3A_99 = arith.remsi %add3A_75, %select_n3A_98 : i32
      %ne3A_100 = arith.constant 0 : i32
      %ne3A_101 = arith.cmpi ne, %rem3A_99, %ne3A_100 : i32
      %lt3A = arith.constant 0 : i32
      %lt3A_102 = arith.cmpi slt, %rem3A_99, %lt3A : i32
      %lt3A_103 = arith.constant 0 : i32
      %lt3A_104 = arith.cmpi slt, %select_n3A_98, %lt3A_103 : i32
      %ne3A_105 = arith.xori %lt3A_102, %lt3A_104 : i1
      %and3A_106 = arith.andi %ne3A_105, %ne3A_101 : i1
      %add3A_107 = arith.addi %rem3A_99, %select_n3A_98 : i32
      %select_n3A_108 = arith.select %and3A_106, %add3A_107, %rem3A_99 : i32
      %add3A_109 = arith.addi %mul3A_94, %select_n3A_108 : i32
      %dma_wait3A_110 = arith.constant 0 : i32
      %dma_wait3A_111 = arith.constant 0 : i32
      %dma_wait3A_112 = tpu.memref_slice %arg4[%dma_wait3A_110, %dma_wait3A_111] : memref<1015808x32xf32, #tpu.memory_space<hbm>> -> memref<128x32xf32, #tpu.memory_space<hbm>>
      %dma_wait3A_113 = arith.constant 0 : i32
      %dma_wait3A_114 = arith.constant 0 : i32
      %dma_wait3A_115 = tpu.memref_slice %arg4[%dma_wait3A_113, %dma_wait3A_114] : memref<1015808x32xf32, #tpu.memory_space<hbm>> -> memref<128x32xf32, #tpu.memory_space<hbm>>
      tpu.wait_dma2 semaphore(%arg15 : memref<!tpu.dma_semaphore, #tpu.memory_space<semaphore_mem>>) src(%dma_wait3A_115 : memref<128x32xf32, #tpu.memory_space<hbm>>) dst(%arg9 : memref<128x32xf32, #tpu.memory_space<vmem>>)
      %dma_wait3A_116 = arith.constant 0 : i32
      %dma_wait3A_117 = arith.constant 0 : i32
      %dma_wait3A_118 = tpu.memref_slice %arg4[%dma_wait3A_116, %dma_wait3A_117] : memref<1015808x32xf32, #tpu.memory_space<hbm>> -> memref<128x32xf32, #tpu.memory_space<hbm>>
      %dma_wait3A_119 = arith.constant 0 : i32
      %dma_wait3A_120 = arith.constant 0 : i32
      %dma_wait3A_121 = tpu.memref_slice %arg4[%dma_wait3A_119, %dma_wait3A_120] : memref<1015808x32xf32, #tpu.memory_space<hbm>> -> memref<128x32xf32, #tpu.memory_space<hbm>>
      tpu.wait_dma2 semaphore(%arg15 : memref<!tpu.dma_semaphore, #tpu.memory_space<semaphore_mem>>) src(%dma_wait3A_121 : memref<128x32xf32, #tpu.memory_space<hbm>>) dst(%arg11 : memref<128x32xf32, #tpu.memory_space<vmem>>)
      %gt3A = arith.constant 0 : i32
      %gt3A_122 = arith.cmpi sgt, %scan3A_71, %gt3A : i32
      %convert_element_type3A = arith.extui %gt3A_122 : i1 to i32
      %cond3A = arith.constant 0 : i32
      %cond3A_123 = arith.cmpi ne, %convert_element_type3A, %cond3A : i32
      scf.if %cond3A_123 {
        %dma_wait3A_350 = arith.constant 0 : i32
        %dma_wait3A_351 = arith.constant 0 : i32
        %dma_wait3A_352 = arith.constant 0 : i32
        %dma_wait3A_353 = arith.constant 0 : i32
        %dma_wait3A_354 = arith.constant 0 : i32
        %dma_wait3A_355 = tpu.memref_slice %arg6[%dma_wait3A_350, %dma_wait3A_351, %dma_wait3A_352, %dma_wait3A_353, %dma_wait3A_354] : memref<26x4x128x8x128xf32, #tpu.memory_space<hbm>> -> memref<1x1x4x8x128xf32, #tpu.memory_space<hbm>>
        %dma_wait3A_356 = tpu.memref_squeeze %dma_wait3A_355 : memref<1x1x4x8x128xf32, #tpu.memory_space<hbm>> -> memref<4x8x128xf32, #tpu.memory_space<hbm>>
        %dma_wait3A_357 = arith.constant 0 : i32
        %dma_wait3A_358 = arith.constant 0 : i32
        %dma_wait3A_359 = arith.constant 0 : i32
        %dma_wait3A_360 = tpu.memref_slice %arg6[%dma_wait3A_350, %dma_wait3A_351, %dma_wait3A_357, %dma_wait3A_358, %dma_wait3A_359] : memref<26x4x128x8x128xf32, #tpu.memory_space<hbm>> -> memref<1x1x4x8x128xf32, #tpu.memory_space<hbm>>
        %dma_wait3A_361 = tpu.memref_squeeze %dma_wait3A_360 : memref<1x1x4x8x128xf32, #tpu.memory_space<hbm>> -> memref<4x8x128xf32, #tpu.memory_space<hbm>>
        tpu.wait_dma2 semaphore(%arg17 : memref<!tpu.dma_semaphore, #tpu.memory_space<semaphore_mem>>) src(%arg13 : memref<4x8x128xf32, #tpu.memory_space<vmem>>) dst(%dma_wait3A_361 : memref<4x8x128xf32, #tpu.memory_space<hbm>>)
      } else {
      }
      %scan3A_124 = arith.constant 0 : i32
      %scan3A_125 = arith.constant 0 : i32
      %scan3A_126 = arith.constant 128 : i32
      %scan3A_127 = arith.addi %scan3A_125, %scan3A_126 : i32
      %scan3A_128 = arith.constant 4 : i32
      scf.for %scan3A_350 = %scan3A_125 to %scan3A_127 step %scan3A_128  : i32 {
        %broadcast_in_dim3A = vector.broadcast %scan3A_350 : i32 to vector<16xi32>
        %get3A = arith.index_cast %scan3A_350 : i32 to index
        %get3A_351 = arith.constant 0 : index
        %get3A_352 = tpu.vector_load %arg9[%get3A, %get3A_351] {strides = array<i32>} : memref<128x32xf32, #tpu.memory_space<vmem>>, vector<16xf32>,
        %get3A_353 = arith.index_cast %scan3A_350 : i32 to index
        %get3A_354 = arith.constant 0 : index
        %get3A_355 = tpu.vector_load %arg11[%get3A_353, %get3A_354] {strides = array<i32>} : memref<128x32xf32, #tpu.memory_space<vmem>>, vector<16xf32>,
        %mul3A_356 = arith.mulf %get3A_352, %get3A_355 : vector<16xf32>
        tpu.vector_store_idx %arg13[%shift_right_arithmetic3A_9, %and3A_4, %broadcast_in_dim3A], %mul3A_356 : memref<4x8x128xf32, #tpu.memory_space<vmem>>[vector<16xi32>, vector<16xi32>, vector<16xi32>], vector<16xf32>,
        %get3A_357 = arith.index_cast %scan3A_350 : i32 to index
        %get3A_358 = arith.constant 16 : index
        %get3A_359 = tpu.vector_load %arg9[%get3A_357, %get3A_358] {strides = array<i32>} : memref<128x32xf32, #tpu.memory_space<vmem>>, vector<16xf32>,
        %get3A_360 = arith.index_cast %scan3A_350 : i32 to index
        %get3A_361 = arith.constant 16 : index
        %get3A_362 = tpu.vector_load %arg11[%get3A_360, %get3A_361] {strides = array<i32>} : memref<128x32xf32, #tpu.memory_space<vmem>>, vector<16xf32>,
        %mul3A_363 = arith.mulf %get3A_359, %get3A_362 : vector<16xf32>
        tpu.vector_store_idx %arg13[%shift_right_arithmetic3A_15, %and3A_4, %broadcast_in_dim3A], %mul3A_363 : memref<4x8x128xf32, #tpu.memory_space<vmem>>[vector<16xi32>, vector<16xi32>, vector<16xi32>], vector<16xf32>,
        %scan3A_364 = arith.constant 1 : i32
        %scan3A_365 = arith.addi %scan3A_350, %scan3A_364 : i32
        %broadcast_in_dim3A_366 = vector.broadcast %scan3A_365 : i32 to vector<16xi32>
        %get3A_367 = arith.index_cast %scan3A_365 : i32 to index
        %get3A_368 = arith.constant 0 : index
        %get3A_369 = tpu.vector_load %arg9[%get3A_367, %get3A_368] {strides = array<i32>} : memref<128x32xf32, #tpu.memory_space<vmem>>, vector<16xf32>,
        %get3A_370 = arith.index_cast %scan3A_365 : i32 to index
        %get3A_371 = arith.constant 0 : index
        %get3A_372 = tpu.vector_load %arg11[%get3A_370, %get3A_371] {strides = array<i32>} : memref<128x32xf32, #tpu.memory_space<vmem>>, vector<16xf32>,
        %mul3A_373 = arith.mulf %get3A_369, %get3A_372 : vector<16xf32>
        tpu.vector_store_idx %arg13[%shift_right_arithmetic3A_9, %and3A_4, %broadcast_in_dim3A_366], %mul3A_373 : memref<4x8x128xf32, #tpu.memory_space<vmem>>[vector<16xi32>, vector<16xi32>, vector<16xi32>], vector<16xf32>,
        %get3A_374 = arith.index_cast %scan3A_365 : i32 to index
        %get3A_375 = arith.constant 16 : index
        %get3A_376 = tpu.vector_load %arg9[%get3A_374, %get3A_375] {strides = array<i32>} : memref<128x32xf32, #tpu.memory_space<vmem>>, vector<16xf32>,
        %get3A_377 = arith.index_cast %scan3A_365 : i32 to index
        %get3A_378 = arith.constant 16 : index
        %get3A_379 = tpu.vector_load %arg11[%get3A_377, %get3A_378] {strides = array<i32>} : memref<128x32xf32, #tpu.memory_space<vmem>>, vector<16xf32>,
        %mul3A_380 = arith.mulf %get3A_376, %get3A_379 : vector<16xf32>
        tpu.vector_store_idx %arg13[%shift_right_arithmetic3A_15, %and3A_4, %broadcast_in_dim3A_366], %mul3A_380 : memref<4x8x128xf32, #tpu.memory_space<vmem>>[vector<16xi32>, vector<16xi32>, vector<16xi32>], vector<16xf32>,
        %scan3A_381 = arith.constant 2 : i32
        %scan3A_382 = arith.addi %scan3A_350, %scan3A_381 : i32
        %broadcast_in_dim3A_383 = vector.broadcast %scan3A_382 : i32 to vector<16xi32>
        %get3A_384 = arith.index_cast %scan3A_382 : i32 to index
        %get3A_385 = arith.constant 0 : index
        %get3A_386 = tpu.vector_load %arg9[%get3A_384, %get3A_385] {strides = array<i32>} : memref<128x32xf32, #tpu.memory_space<vmem>>, vector<16xf32>,
        %get3A_387 = arith.index_cast %scan3A_382 : i32 to index
        %get3A_388 = arith.constant 0 : index
        %get3A_389 = tpu.vector_load %arg11[%get3A_387, %get3A_388] {strides = array<i32>} : memref<128x32xf32, #tpu.memory_space<vmem>>, vector<16xf32>,
        %mul3A_390 = arith.mulf %get3A_386, %get3A_389 : vector<16xf32>
        tpu.vector_store_idx %arg13[%shift_right_arithmetic3A_9, %and3A_4, %broadcast_in_dim3A_383], %mul3A_390 : memref<4x8x128xf32, #tpu.memory_space<vmem>>[vector<16xi32>, vector<16xi32>, vector<16xi32>], vector<16xf32>,
        %get3A_391 = arith.index_cast %scan3A_382 : i32 to index
        %get3A_392 = arith.constant 16 : index
        %get3A_393 = tpu.vector_load %arg9[%get3A_391, %get3A_392] {strides = array<i32>} : memref<128x32xf32, #tpu.memory_space<vmem>>, vector<16xf32>,
        %get3A_394 = arith.index_cast %scan3A_382 : i32 to index
        %get3A_395 = arith.constant 16 : index
        %get3A_396 = tpu.vector_load %arg11[%get3A_394, %get3A_395] {strides = array<i32>} : memref<128x32xf32, #tpu.memory_space<vmem>>, vector<16xf32>,
        %mul3A_397 = arith.mulf %get3A_393, %get3A_396 : vector<16xf32>
        tpu.vector_store_idx %arg13[%shift_right_arithmetic3A_15, %and3A_4, %broadcast_in_dim3A_383], %mul3A_397 : memref<4x8x128xf32, #tpu.memory_space<vmem>>[vector<16xi32>, vector<16xi32>, vector<16xi32>], vector<16xf32>,
        %scan3A_398 = arith.constant 3 : i32
        %scan3A_399 = arith.addi %scan3A_350, %scan3A_398 : i32
        %broadcast_in_dim3A_400 = vector.broadcast %scan3A_399 : i32 to vector<16xi32>
        %get3A_401 = arith.index_cast %scan3A_399 : i32 to index
        %get3A_402 = arith.constant 0 : index
        %get3A_403 = tpu.vector_load %arg9[%get3A_401, %get3A_402] {strides = array<i32>} : memref<128x32xf32, #tpu.memory_space<vmem>>, vector<16xf32>,
        %get3A_404 = arith.index_cast %scan3A_399 : i32 to index
        %get3A_405 = arith.constant 0 : index
        %get3A_406 = tpu.vector_load %arg11[%get3A_404, %get3A_405] {strides = array<i32>} : memref<128x32xf32, #tpu.memory_space<vmem>>, vector<16xf32>,
        %mul3A_407 = arith.mulf %get3A_403, %get3A_406 : vector<16xf32>
        tpu.vector_store_idx %arg13[%shift_right_arithmetic3A_9, %and3A_4, %broadcast_in_dim3A_400], %mul3A_407 : memref<4x8x128xf32, #tpu.memory_space<vmem>>[vector<16xi32>, vector<16xi32>, vector<16xi32>], vector<16xf32>,
        %get3A_408 = arith.index_cast %scan3A_399 : i32 to index
        %get3A_409 = arith.constant 16 : index
        %get3A_410 = tpu.vector_load %arg9[%get3A_408, %get3A_409] {strides = array<i32>} : memref<128x32xf32, #tpu.memory_space<vmem>>, vector<16xf32>,
        %get3A_411 = arith.index_cast %scan3A_399 : i32 to index
        %get3A_412 = arith.constant 16 : index
        %get3A_413 = tpu.vector_load %arg11[%get3A_411, %get3A_412] {strides = array<i32>} : memref<128x32xf32, #tpu.memory_space<vmem>>, vector<16xf32>,
        %mul3A_414 = arith.mulf %get3A_410, %get3A_413 : vector<16xf32>
        tpu.vector_store_idx %arg13[%shift_right_arithmetic3A_15, %and3A_4, %broadcast_in_dim3A_400], %mul3A_414 : memref<4x8x128xf32, #tpu.memory_space<vmem>>[vector<16xi32>, vector<16xi32>, vector<16xi32>], vector<16xf32>,
      }
      %scan3A_129 = arith.constant 128 : i32
      %add3A_130 = arith.constant 2 : i32
      %add3A_131 = arith.addi %add3A_75, %add3A_130 : i32
      %lt3A_132 = arith.constant 104 : i32
      %lt3A_133 = arith.cmpi slt, %add3A_131, %lt3A_132 : i32
      %convert_element_type3A_134 = arith.extui %lt3A_133 : i1 to i32
      %cond3A_135 = arith.constant 0 : i32
      %cond3A_136 = arith.cmpi ne, %convert_element_type3A_134, %cond3A_135 : i32
      scf.if %cond3A_136 {
        %add3A_350 = arith.constant 2 : i32
        %add3A_351 = arith.addi %add3A_75, %add3A_350 : i32
        %jit3A_352 = arith.constant 4 : i32
        %div3A_353 = arith.divsi %add3A_351, %jit3A_352 : i32
        %sign3A_354 = arith.constant 0 : i32
        %sign3A_355 = arith.cmpi sgt, %add3A_351, %sign3A_354 : i32
        %sign3A_356 = arith.extui %sign3A_355 : i1 to i32
        %sign3A_357 = arith.constant 0 : i32
        %sign3A_358 = arith.cmpi slt, %add3A_351, %sign3A_357 : i32
        %sign3A_359 = arith.extui %sign3A_358 : i1 to i32
        %sign3A_360 = arith.subi %sign3A_356, %sign3A_359 : i32
        %sign3A_361 = arith.constant 0 : i32
        %sign3A_362 = arith.cmpi sgt, %jit3A_352, %sign3A_361 : i32
        %sign3A_363 = arith.extui %sign3A_362 : i1 to i32
        %sign3A_364 = arith.constant 0 : i32
        %sign3A_365 = arith.cmpi slt, %jit3A_352, %sign3A_364 : i32
        %sign3A_366 = arith.extui %sign3A_365 : i1 to i32
        %sign3A_367 = arith.subi %sign3A_363, %sign3A_366 : i32
        %ne3A_368 = arith.cmpi ne, %sign3A_360, %sign3A_367 : i32
        %rem3A_369 = arith.remsi %add3A_351, %jit3A_352 : i32
        %ne3A_370 = arith.constant 0 : i32
        %ne3A_371 = arith.cmpi ne, %rem3A_369, %ne3A_370 : i32
        %and3A_372 = arith.andi %ne3A_368, %ne3A_371 : i1
        %sub3A_373 = arith.constant 1 : i32
        %sub3A_374 = arith.subi %div3A_353, %sub3A_373 : i32
        %select_n3A_375 = arith.select %and3A_372, %sub3A_374, %div3A_353 : i32
        %jit3A_376 = arith.constant 4 : i32
        %eq3A_377 = arith.constant 0 : i32
        %eq3A_378 = arith.cmpi eq, %jit3A_376, %eq3A_377 : i32
        %jit3A_379 = arith.constant 1 : i32
        %select_n3A_380 = arith.select %eq3A_378, %jit3A_379, %jit3A_376 : i32
        %rem3A_381 = arith.remsi %add3A_351, %select_n3A_380 : i32
        %ne3A_382 = arith.constant 0 : i32
        %ne3A_383 = arith.cmpi ne, %rem3A_381, %ne3A_382 : i32
        %lt3A_384 = arith.constant 0 : i32
        %lt3A_385 = arith.cmpi slt, %rem3A_381, %lt3A_384 : i32
        %lt3A_386 = arith.constant 0 : i32
        %lt3A_387 = arith.cmpi slt, %select_n3A_380, %lt3A_386 : i32
        %ne3A_388 = arith.xori %lt3A_385, %lt3A_387 : i1
        %and3A_389 = arith.andi %ne3A_388, %ne3A_383 : i1
        %add3A_390 = arith.addi %rem3A_381, %select_n3A_380 : i32
        %select_n3A_391 = arith.select %and3A_389, %add3A_390, %rem3A_381 : i32
        %mul3A_392 = arith.constant 128 : i32
        %mul3A_393 = arith.muli %select_n3A_391, %mul3A_392 : i32
        %dma_start3A_394 = tpu.memref_slice %arg7[%select_n3A_375, %mul3A_393] : memref<26x512xi32, #tpu.memory_space<vmem>> -> memref<1x128xi32, #tpu.memory_space<vmem>>
        %dma_start3A_395 = tpu.memref_squeeze %dma_start3A_394 : memref<1x128xi32, #tpu.memory_space<vmem>> -> memref<128xi32, #tpu.memory_space<vmem>>
        %dma_start3A_396 = arith.constant 0 : i32
        %dma_start3A_397 = arith.constant 0 : i32
        %dma_start3A_398 = tpu.memref_slice %arg4[%dma_start3A_396, %dma_start3A_397] : memref<1015808x32xf32, #tpu.memory_space<hbm>> -> memref<1015808x32xf32, #tpu.memory_space<hbm>>
        tpu.enqueue_indirect_dma source(%dma_start3A_398 : memref<1015808x32xf32, #tpu.memory_space<hbm>>) target(%arg9 : memref<128x32xf32, #tpu.memory_space<vmem>>) offsets(%dma_start3A_395 : memref<128xi32, #tpu.memory_space<vmem>>) semaphore(%arg15 : memref<!tpu.dma_semaphore, #tpu.memory_space<semaphore_mem>>)
        %dma_start3A_399 = tpu.memref_slice %arg8[%select_n3A_375, %mul3A_393] : memref<26x512xi32, #tpu.memory_space<vmem>> -> memref<1x128xi32, #tpu.memory_space<vmem>>
        %dma_start3A_400 = tpu.memref_squeeze %dma_start3A_399 : memref<1x128xi32, #tpu.memory_space<vmem>> -> memref<128xi32, #tpu.memory_space<vmem>>
        %dma_start3A_401 = arith.constant 0 : i32
        %dma_start3A_402 = arith.constant 0 : i32
        %dma_start3A_403 = tpu.memref_slice %arg5[%dma_start3A_401, %dma_start3A_402] : memref<1015808x32xf32, #tpu.memory_space<hbm>> -> memref<1015808x32xf32, #tpu.memory_space<hbm>>
        tpu.enqueue_indirect_dma source(%dma_start3A_403 : memref<1015808x32xf32, #tpu.memory_space<hbm>>) target(%arg11 : memref<128x32xf32, #tpu.memory_space<vmem>>) offsets(%dma_start3A_400 : memref<128xi32, #tpu.memory_space<vmem>>) semaphore(%arg15 : memref<!tpu.dma_semaphore, #tpu.memory_space<semaphore_mem>>)
      } else {
      }
      %dma_start3A_137 = arith.constant 0 : i32
      %dma_start3A_138 = arith.constant 0 : i32
      %dma_start3A_139 = arith.constant 0 : i32
      %dma_start3A_140 = arith.constant 0 : i32
      %dma_start3A_141 = tpu.memref_slice %arg13[%dma_start3A_138, %dma_start3A_139, %dma_start3A_140] : memref<4x8x128xf32, #tpu.memory_space<vmem>> -> memref<1x8x128xf32, #tpu.memory_space<vmem>>
      %dma_start3A_142 = arith.constant 0 : i32
      %dma_start3A_143 = arith.constant 0 : i32
      %dma_start3A_144 = tpu.memref_slice %arg6[%select_n3A, %dma_start3A_137, %add3A_109, %dma_start3A_142, %dma_start3A_143] : memref<26x4x128x8x128xf32, #tpu.memory_space<hbm>> -> memref<1x1x1x8x128xf32, #tpu.memory_space<hbm>>
      %dma_start3A_145 = tpu.memref_squeeze %dma_start3A_144 : memref<1x1x1x8x128xf32, #tpu.memory_space<hbm>> -> memref<1x8x128xf32, #tpu.memory_space<hbm>>
      %dma_start3A_146 = arith.constant 0 : i32
      %dma_start3A_147 = arith.constant 0 : i32
      %dma_start3A_148 = tpu.memref_slice %arg6[%select_n3A, %dma_start3A_137, %add3A_109, %dma_start3A_146, %dma_start3A_147] : memref<26x4x128x8x128xf32, #tpu.memory_space<hbm>> -> memref<1x1x1x8x128xf32, #tpu.memory_space<hbm>>
      %dma_start3A_149 = tpu.memref_squeeze %dma_start3A_148 : memref<1x1x1x8x128xf32, #tpu.memory_space<hbm>> -> memref<1x8x128xf32, #tpu.memory_space<hbm>>
      %dma_start3A_150 = arith.constant 0 : i32
      %dma_start3A_151 = arith.constant 0 : i32
      %dma_start3A_152 = arith.constant 0 : i32
      %dma_start3A_153 = tpu.memref_slice %arg13[%dma_start3A_150, %dma_start3A_151, %dma_start3A_152] : memref<4x8x128xf32, #tpu.memory_space<vmem>> -> memref<1x8x128xf32, #tpu.memory_space<vmem>>
      tpu.enqueue_dma source(%dma_start3A_153 : memref<1x8x128xf32, #tpu.memory_space<vmem>>) target(%dma_start3A_149 : memref<1x8x128xf32, #tpu.memory_space<hbm>>) target_semaphore(%arg17 : memref<!tpu.dma_semaphore, #tpu.memory_space<semaphore_mem>>)
      %dma_start3A_154 = arith.constant 1 : i32
      %dma_start3A_155 = arith.constant 1 : i32
      %dma_start3A_156 = arith.constant 0 : i32
      %dma_start3A_157 = arith.constant 0 : i32
      %dma_start3A_158 = tpu.memref_slice %arg13[%dma_start3A_155, %dma_start3A_156, %dma_start3A_157] : memref<4x8x128xf32, #tpu.memory_space<vmem>> -> memref<1x8x128xf32, #tpu.memory_space<vmem>>
      %dma_start3A_159 = arith.constant 0 : i32
      %dma_start3A_160 = arith.constant 0 : i32
      %dma_start3A_161 = tpu.memref_slice %arg6[%select_n3A, %dma_start3A_154, %add3A_109, %dma_start3A_159, %dma_start3A_160] : memref<26x4x128x8x128xf32, #tpu.memory_space<hbm>> -> memref<1x1x1x8x128xf32, #tpu.memory_space<hbm>>
      %dma_start3A_162 = tpu.memref_squeeze %dma_start3A_161 : memref<1x1x1x8x128xf32, #tpu.memory_space<hbm>> -> memref<1x8x128xf32, #tpu.memory_space<hbm>>
      %dma_start3A_163 = arith.constant 0 : i32
      %dma_start3A_164 = arith.constant 0 : i32
      %dma_start3A_165 = tpu.memref_slice %arg6[%select_n3A, %dma_start3A_154, %add3A_109, %dma_start3A_163, %dma_start3A_164] : memref<26x4x128x8x128xf32, #tpu.memory_space<hbm>> -> memref<1x1x1x8x128xf32, #tpu.memory_space<hbm>>
      %dma_start3A_166 = tpu.memref_squeeze %dma_start3A_165 : memref<1x1x1x8x128xf32, #tpu.memory_space<hbm>> -> memref<1x8x128xf32, #tpu.memory_space<hbm>>
      %dma_start3A_167 = arith.constant 1 : i32
      %dma_start3A_168 = arith.constant 0 : i32
      %dma_start3A_169 = arith.constant 0 : i32
      %dma_start3A_170 = tpu.memref_slice %arg13[%dma_start3A_167, %dma_start3A_168, %dma_start3A_169] : memref<4x8x128xf32, #tpu.memory_space<vmem>> -> memref<1x8x128xf32, #tpu.memory_space<vmem>>
      tpu.enqueue_dma source(%dma_start3A_170 : memref<1x8x128xf32, #tpu.memory_space<vmem>>) target(%dma_start3A_166 : memref<1x8x128xf32, #tpu.memory_space<hbm>>) target_semaphore(%arg17 : memref<!tpu.dma_semaphore, #tpu.memory_space<semaphore_mem>>)
      %dma_start3A_171 = arith.constant 2 : i32
      %dma_start3A_172 = arith.constant 2 : i32
      %dma_start3A_173 = arith.constant 0 : i32
      %dma_start3A_174 = arith.constant 0 : i32
      %dma_start3A_175 = tpu.memref_slice %arg13[%dma_start3A_172, %dma_start3A_173, %dma_start3A_174] : memref<4x8x128xf32, #tpu.memory_space<vmem>> -> memref<1x8x128xf32, #tpu.memory_space<vmem>>
      %dma_start3A_176 = arith.constant 0 : i32
      %dma_start3A_177 = arith.constant 0 : i32
      %dma_start3A_178 = tpu.memref_slice %arg6[%select_n3A, %dma_start3A_171, %add3A_109, %dma_start3A_176, %dma_start3A_177] : memref<26x4x128x8x128xf32, #tpu.memory_space<hbm>> -> memref<1x1x1x8x128xf32, #tpu.memory_space<hbm>>
      %dma_start3A_179 = tpu.memref_squeeze %dma_start3A_178 : memref<1x1x1x8x128xf32, #tpu.memory_space<hbm>> -> memref<1x8x128xf32, #tpu.memory_space<hbm>>
      %dma_start3A_180 = arith.constant 0 : i32
      %dma_start3A_181 = arith.constant 0 : i32
      %dma_start3A_182 = tpu.memref_slice %arg6[%select_n3A, %dma_start3A_171, %add3A_109, %dma_start3A_180, %dma_start3A_181] : memref<26x4x128x8x128xf32, #tpu.memory_space<hbm>> -> memref<1x1x1x8x128xf32, #tpu.memory_space<hbm>>
      %dma_start3A_183 = tpu.memref_squeeze %dma_start3A_182 : memref<1x1x1x8x128xf32, #tpu.memory_space<hbm>> -> memref<1x8x128xf32, #tpu.memory_space<hbm>>
      %dma_start3A_184 = arith.constant 2 : i32
      %dma_start3A_185 = arith.constant 0 : i32
      %dma_start3A_186 = arith.constant 0 : i32
      %dma_start3A_187 = tpu.memref_slice %arg13[%dma_start3A_184, %dma_start3A_185, %dma_start3A_186] : memref<4x8x128xf32, #tpu.memory_space<vmem>> -> memref<1x8x128xf32, #tpu.memory_space<vmem>>
      tpu.enqueue_dma source(%dma_start3A_187 : memref<1x8x128xf32, #tpu.memory_space<vmem>>) target(%dma_start3A_183 : memref<1x8x128xf32, #tpu.memory_space<hbm>>) target_semaphore(%arg17 : memref<!tpu.dma_semaphore, #tpu.memory_space<semaphore_mem>>)
      %dma_start3A_188 = arith.constant 3 : i32
      %dma_start3A_189 = arith.constant 3 : i32
      %dma_start3A_190 = arith.constant 0 : i32
      %dma_start3A_191 = arith.constant 0 : i32
      %dma_start3A_192 = tpu.memref_slice %arg13[%dma_start3A_189, %dma_start3A_190, %dma_start3A_191] : memref<4x8x128xf32, #tpu.memory_space<vmem>> -> memref<1x8x128xf32, #tpu.memory_space<vmem>>
      %dma_start3A_193 = arith.constant 0 : i32
      %dma_start3A_194 = arith.constant 0 : i32
      %dma_start3A_195 = tpu.memref_slice %arg6[%select_n3A, %dma_start3A_188, %add3A_109, %dma_start3A_193, %dma_start3A_194] : memref<26x4x128x8x128xf32, #tpu.memory_space<hbm>> -> memref<1x1x1x8x128xf32, #tpu.memory_space<hbm>>
      %dma_start3A_196 = tpu.memref_squeeze %dma_start3A_195 : memref<1x1x1x8x128xf32, #tpu.memory_space<hbm>> -> memref<1x8x128xf32, #tpu.memory_space<hbm>>
      %dma_start3A_197 = arith.constant 0 : i32
      %dma_start3A_198 = arith.constant 0 : i32
      %dma_start3A_199 = tpu.memref_slice %arg6[%select_n3A, %dma_start3A_188, %add3A_109, %dma_start3A_197, %dma_start3A_198] : memref<26x4x128x8x128xf32, #tpu.memory_space<hbm>> -> memref<1x1x1x8x128xf32, #tpu.memory_space<hbm>>
      %dma_start3A_200 = tpu.memref_squeeze %dma_start3A_199 : memref<1x1x1x8x128xf32, #tpu.memory_space<hbm>> -> memref<1x8x128xf32, #tpu.memory_space<hbm>>
      %dma_start3A_201 = arith.constant 3 : i32
      %dma_start3A_202 = arith.constant 0 : i32
      %dma_start3A_203 = arith.constant 0 : i32
      %dma_start3A_204 = tpu.memref_slice %arg13[%dma_start3A_201, %dma_start3A_202, %dma_start3A_203] : memref<4x8x128xf32, #tpu.memory_space<vmem>> -> memref<1x8x128xf32, #tpu.memory_space<vmem>>
      tpu.enqueue_dma source(%dma_start3A_204 : memref<1x8x128xf32, #tpu.memory_space<vmem>>) target(%dma_start3A_200 : memref<1x8x128xf32, #tpu.memory_space<hbm>>) target_semaphore(%arg17 : memref<!tpu.dma_semaphore, #tpu.memory_space<semaphore_mem>>)
      %mul3A_205 = arith.constant 2 : i32
      %mul3A_206 = arith.muli %mul3A_205, %scan3A_71 : i32
      %add3A_207 = arith.constant 1 : i32
      %add3A_208 = arith.addi %mul3A_206, %add3A_207 : i32
      %jit3A_209 = arith.constant 4 : i32
      %div3A_210 = arith.divsi %add3A_208, %jit3A_209 : i32
      %sign3A_211 = arith.constant 0 : i32
      %sign3A_212 = arith.cmpi sgt, %add3A_208, %sign3A_211 : i32
      %sign3A_213 = arith.extui %sign3A_212 : i1 to i32
      %sign3A_214 = arith.constant 0 : i32
      %sign3A_215 = arith.cmpi slt, %add3A_208, %sign3A_214 : i32
      %sign3A_216 = arith.extui %sign3A_215 : i1 to i32
      %sign3A_217 = arith.subi %sign3A_213, %sign3A_216 : i32
      %sign3A_218 = arith.constant 0 : i32
      %sign3A_219 = arith.cmpi sgt, %jit3A_209, %sign3A_218 : i32
      %sign3A_220 = arith.extui %sign3A_219 : i1 to i32
      %sign3A_221 = arith.constant 0 : i32
      %sign3A_222 = arith.cmpi slt, %jit3A_209, %sign3A_221 : i32
      %sign3A_223 = arith.extui %sign3A_222 : i1 to i32
      %sign3A_224 = arith.subi %sign3A_220, %sign3A_223 : i32
      %ne3A_225 = arith.cmpi ne, %sign3A_217, %sign3A_224 : i32
      %rem3A_226 = arith.remsi %add3A_208, %jit3A_209 : i32
      %ne3A_227 = arith.constant 0 : i32
      %ne3A_228 = arith.cmpi ne, %rem3A_226, %ne3A_227 : i32
      %and3A_229 = arith.andi %ne3A_225, %ne3A_228 : i1
      %sub3A_230 = arith.constant 1 : i32
      %sub3A_231 = arith.subi %div3A_210, %sub3A_230 : i32
      %select_n3A_232 = arith.select %and3A_229, %sub3A_231, %div3A_210 : i32
      %mul3A_233 = arith.constant 4 : i32
      %mul3A_234 = arith.muli %add3A, %mul3A_233 : i32
      %jit3A_235 = arith.constant 4 : i32
      %eq3A_236 = arith.constant 0 : i32
      %eq3A_237 = arith.cmpi eq, %jit3A_235, %eq3A_236 : i32
      %jit3A_238 = arith.constant 1 : i32
      %select_n3A_239 = arith.select %eq3A_237, %jit3A_238, %jit3A_235 : i32
      %rem3A_240 = arith.remsi %add3A_208, %select_n3A_239 : i32
      %ne3A_241 = arith.constant 0 : i32
      %ne3A_242 = arith.cmpi ne, %rem3A_240, %ne3A_241 : i32
      %lt3A_243 = arith.constant 0 : i32
      %lt3A_244 = arith.cmpi slt, %rem3A_240, %lt3A_243 : i32
      %lt3A_245 = arith.constant 0 : i32
      %lt3A_246 = arith.cmpi slt, %select_n3A_239, %lt3A_245 : i32
      %ne3A_247 = arith.xori %lt3A_244, %lt3A_246 : i1
      %and3A_248 = arith.andi %ne3A_247, %ne3A_242 : i1
      %add3A_249 = arith.addi %rem3A_240, %select_n3A_239 : i32
      %select_n3A_250 = arith.select %and3A_248, %add3A_249, %rem3A_240 : i32
      %add3A_251 = arith.addi %mul3A_234, %select_n3A_250 : i32
      %dma_wait3A_252 = arith.constant 0 : i32
      %dma_wait3A_253 = arith.constant 0 : i32
      %dma_wait3A_254 = tpu.memref_slice %arg4[%dma_wait3A_252, %dma_wait3A_253] : memref<1015808x32xf32, #tpu.memory_space<hbm>> -> memref<128x32xf32, #tpu.memory_space<hbm>>
      %dma_wait3A_255 = arith.constant 0 : i32
      %dma_wait3A_256 = arith.constant 0 : i32
      %dma_wait3A_257 = tpu.memref_slice %arg4[%dma_wait3A_255, %dma_wait3A_256] : memref<1015808x32xf32, #tpu.memory_space<hbm>> -> memref<128x32xf32, #tpu.memory_space<hbm>>
      tpu.wait_dma2 semaphore(%arg16 : memref<!tpu.dma_semaphore, #tpu.memory_space<semaphore_mem>>) src(%dma_wait3A_257 : memref<128x32xf32, #tpu.memory_space<hbm>>) dst(%arg10 : memref<128x32xf32, #tpu.memory_space<vmem>>)
      %dma_wait3A_258 = arith.constant 0 : i32
      %dma_wait3A_259 = arith.constant 0 : i32
      %dma_wait3A_260 = tpu.memref_slice %arg4[%dma_wait3A_258, %dma_wait3A_259] : memref<1015808x32xf32, #tpu.memory_space<hbm>> -> memref<128x32xf32, #tpu.memory_space<hbm>>
      %dma_wait3A_261 = arith.constant 0 : i32
      %dma_wait3A_262 = arith.constant 0 : i32
      %dma_wait3A_263 = tpu.memref_slice %arg4[%dma_wait3A_261, %dma_wait3A_262] : memref<1015808x32xf32, #tpu.memory_space<hbm>> -> memref<128x32xf32, #tpu.memory_space<hbm>>
      tpu.wait_dma2 semaphore(%arg16 : memref<!tpu.dma_semaphore, #tpu.memory_space<semaphore_mem>>) src(%dma_wait3A_263 : memref<128x32xf32, #tpu.memory_space<hbm>>) dst(%arg12 : memref<128x32xf32, #tpu.memory_space<vmem>>)
      %gt3A_264 = arith.constant 0 : i32
      %gt3A_265 = arith.cmpi sgt, %scan3A_71, %gt3A_264 : i32
      %convert_element_type3A_266 = arith.extui %gt3A_265 : i1 to i32
      %cond3A_267 = arith.constant 0 : i32
      %cond3A_268 = arith.cmpi ne, %convert_element_type3A_266, %cond3A_267 : i32
      scf.if %cond3A_268 {
        %dma_wait3A_350 = arith.constant 0 : i32
        %dma_wait3A_351 = arith.constant 0 : i32
        %dma_wait3A_352 = arith.constant 0 : i32
        %dma_wait3A_353 = arith.constant 0 : i32
        %dma_wait3A_354 = arith.constant 0 : i32
        %dma_wait3A_355 = tpu.memref_slice %arg6[%dma_wait3A_350, %dma_wait3A_351, %dma_wait3A_352, %dma_wait3A_353, %dma_wait3A_354] : memref<26x4x128x8x128xf32, #tpu.memory_space<hbm>> -> memref<1x1x4x8x128xf32, #tpu.memory_space<hbm>>
        %dma_wait3A_356 = tpu.memref_squeeze %dma_wait3A_355 : memref<1x1x4x8x128xf32, #tpu.memory_space<hbm>> -> memref<4x8x128xf32, #tpu.memory_space<hbm>>
        %dma_wait3A_357 = arith.constant 0 : i32
        %dma_wait3A_358 = arith.constant 0 : i32
        %dma_wait3A_359 = arith.constant 0 : i32
        %dma_wait3A_360 = tpu.memref_slice %arg6[%dma_wait3A_350, %dma_wait3A_351, %dma_wait3A_357, %dma_wait3A_358, %dma_wait3A_359] : memref<26x4x128x8x128xf32, #tpu.memory_space<hbm>> -> memref<1x1x4x8x128xf32, #tpu.memory_space<hbm>>
        %dma_wait3A_361 = tpu.memref_squeeze %dma_wait3A_360 : memref<1x1x4x8x128xf32, #tpu.memory_space<hbm>> -> memref<4x8x128xf32, #tpu.memory_space<hbm>>
        tpu.wait_dma2 semaphore(%arg18 : memref<!tpu.dma_semaphore, #tpu.memory_space<semaphore_mem>>) src(%arg14 : memref<4x8x128xf32, #tpu.memory_space<vmem>>) dst(%dma_wait3A_361 : memref<4x8x128xf32, #tpu.memory_space<hbm>>)
      } else {
      }
      %scan3A_269 = arith.constant 0 : i32
      %scan3A_270 = arith.constant 0 : i32
      %scan3A_271 = arith.constant 128 : i32
      %scan3A_272 = arith.addi %scan3A_270, %scan3A_271 : i32
      %scan3A_273 = arith.constant 4 : i32
      scf.for %scan3A_350 = %scan3A_270 to %scan3A_272 step %scan3A_273  : i32 {
        %broadcast_in_dim3A = vector.broadcast %scan3A_350 : i32 to vector<16xi32>
        %get3A = arith.index_cast %scan3A_350 : i32 to index
        %get3A_351 = arith.constant 0 : index
        %get3A_352 = tpu.vector_load %arg10[%get3A, %get3A_351] {strides = array<i32>} : memref<128x32xf32, #tpu.memory_space<vmem>>, vector<16xf32>,
        %get3A_353 = arith.index_cast %scan3A_350 : i32 to index
        %get3A_354 = arith.constant 0 : index
        %get3A_355 = tpu.vector_load %arg12[%get3A_353, %get3A_354] {strides = array<i32>} : memref<128x32xf32, #tpu.memory_space<vmem>>, vector<16xf32>,
        %mul3A_356 = arith.mulf %get3A_352, %get3A_355 : vector<16xf32>
        tpu.vector_store_idx %arg14[%shift_right_arithmetic3A_9, %and3A_4, %broadcast_in_dim3A], %mul3A_356 : memref<4x8x128xf32, #tpu.memory_space<vmem>>[vector<16xi32>, vector<16xi32>, vector<16xi32>], vector<16xf32>,
        %get3A_357 = arith.index_cast %scan3A_350 : i32 to index
        %get3A_358 = arith.constant 16 : index
        %get3A_359 = tpu.vector_load %arg10[%get3A_357, %get3A_358] {strides = array<i32>} : memref<128x32xf32, #tpu.memory_space<vmem>>, vector<16xf32>,
        %get3A_360 = arith.index_cast %scan3A_350 : i32 to index
        %get3A_361 = arith.constant 16 : index
        %get3A_362 = tpu.vector_load %arg12[%get3A_360, %get3A_361] {strides = array<i32>} : memref<128x32xf32, #tpu.memory_space<vmem>>, vector<16xf32>,
        %mul3A_363 = arith.mulf %get3A_359, %get3A_362 : vector<16xf32>
        tpu.vector_store_idx %arg14[%shift_right_arithmetic3A_15, %and3A_4, %broadcast_in_dim3A], %mul3A_363 : memref<4x8x128xf32, #tpu.memory_space<vmem>>[vector<16xi32>, vector<16xi32>, vector<16xi32>], vector<16xf32>,
        %scan3A_364 = arith.constant 1 : i32
        %scan3A_365 = arith.addi %scan3A_350, %scan3A_364 : i32
        %broadcast_in_dim3A_366 = vector.broadcast %scan3A_365 : i32 to vector<16xi32>
        %get3A_367 = arith.index_cast %scan3A_365 : i32 to index
        %get3A_368 = arith.constant 0 : index
        %get3A_369 = tpu.vector_load %arg10[%get3A_367, %get3A_368] {strides = array<i32>} : memref<128x32xf32, #tpu.memory_space<vmem>>, vector<16xf32>,
        %get3A_370 = arith.index_cast %scan3A_365 : i32 to index
        %get3A_371 = arith.constant 0 : index
        %get3A_372 = tpu.vector_load %arg12[%get3A_370, %get3A_371] {strides = array<i32>} : memref<128x32xf32, #tpu.memory_space<vmem>>, vector<16xf32>,
        %mul3A_373 = arith.mulf %get3A_369, %get3A_372 : vector<16xf32>
        tpu.vector_store_idx %arg14[%shift_right_arithmetic3A_9, %and3A_4, %broadcast_in_dim3A_366], %mul3A_373 : memref<4x8x128xf32, #tpu.memory_space<vmem>>[vector<16xi32>, vector<16xi32>, vector<16xi32>], vector<16xf32>,
        %get3A_374 = arith.index_cast %scan3A_365 : i32 to index
        %get3A_375 = arith.constant 16 : index
        %get3A_376 = tpu.vector_load %arg10[%get3A_374, %get3A_375] {strides = array<i32>} : memref<128x32xf32, #tpu.memory_space<vmem>>, vector<16xf32>,
        %get3A_377 = arith.index_cast %scan3A_365 : i32 to index
        %get3A_378 = arith.constant 16 : index
        %get3A_379 = tpu.vector_load %arg12[%get3A_377, %get3A_378] {strides = array<i32>} : memref<128x32xf32, #tpu.memory_space<vmem>>, vector<16xf32>,
        %mul3A_380 = arith.mulf %get3A_376, %get3A_379 : vector<16xf32>
        tpu.vector_store_idx %arg14[%shift_right_arithmetic3A_15, %and3A_4, %broadcast_in_dim3A_366], %mul3A_380 : memref<4x8x128xf32, #tpu.memory_space<vmem>>[vector<16xi32>, vector<16xi32>, vector<16xi32>], vector<16xf32>,
        %scan3A_381 = arith.constant 2 : i32
        %scan3A_382 = arith.addi %scan3A_350, %scan3A_381 : i32
        %broadcast_in_dim3A_383 = vector.broadcast %scan3A_382 : i32 to vector<16xi32>
        %get3A_384 = arith.index_cast %scan3A_382 : i32 to index
        %get3A_385 = arith.constant 0 : index
        %get3A_386 = tpu.vector_load %arg10[%get3A_384, %get3A_385] {strides = array<i32>} : memref<128x32xf32, #tpu.memory_space<vmem>>, vector<16xf32>,
        %get3A_387 = arith.index_cast %scan3A_382 : i32 to index
        %get3A_388 = arith.constant 0 : index
        %get3A_389 = tpu.vector_load %arg12[%get3A_387, %get3A_388] {strides = array<i32>} : memref<128x32xf32, #tpu.memory_space<vmem>>, vector<16xf32>,
        %mul3A_390 = arith.mulf %get3A_386, %get3A_389 : vector<16xf32>
        tpu.vector_store_idx %arg14[%shift_right_arithmetic3A_9, %and3A_4, %broadcast_in_dim3A_383], %mul3A_390 : memref<4x8x128xf32, #tpu.memory_space<vmem>>[vector<16xi32>, vector<16xi32>, vector<16xi32>], vector<16xf32>,
        %get3A_391 = arith.index_cast %scan3A_382 : i32 to index
        %get3A_392 = arith.constant 16 : index
        %get3A_393 = tpu.vector_load %arg10[%get3A_391, %get3A_392] {strides = array<i32>} : memref<128x32xf32, #tpu.memory_space<vmem>>, vector<16xf32>,
        %get3A_394 = arith.index_cast %scan3A_382 : i32 to index
        %get3A_395 = arith.constant 16 : index
        %get3A_396 = tpu.vector_load %arg12[%get3A_394, %get3A_395] {strides = array<i32>} : memref<128x32xf32, #tpu.memory_space<vmem>>, vector<16xf32>,
        %mul3A_397 = arith.mulf %get3A_393, %get3A_396 : vector<16xf32>
        tpu.vector_store_idx %arg14[%shift_right_arithmetic3A_15, %and3A_4, %broadcast_in_dim3A_383], %mul3A_397 : memref<4x8x128xf32, #tpu.memory_space<vmem>>[vector<16xi32>, vector<16xi32>, vector<16xi32>], vector<16xf32>,
        %scan3A_398 = arith.constant 3 : i32
        %scan3A_399 = arith.addi %scan3A_350, %scan3A_398 : i32
        %broadcast_in_dim3A_400 = vector.broadcast %scan3A_399 : i32 to vector<16xi32>
        %get3A_401 = arith.index_cast %scan3A_399 : i32 to index
        %get3A_402 = arith.constant 0 : index
        %get3A_403 = tpu.vector_load %arg10[%get3A_401, %get3A_402] {strides = array<i32>} : memref<128x32xf32, #tpu.memory_space<vmem>>, vector<16xf32>,
        %get3A_404 = arith.index_cast %scan3A_399 : i32 to index
        %get3A_405 = arith.constant 0 : index
        %get3A_406 = tpu.vector_load %arg12[%get3A_404, %get3A_405] {strides = array<i32>} : memref<128x32xf32, #tpu.memory_space<vmem>>, vector<16xf32>,
        %mul3A_407 = arith.mulf %get3A_403, %get3A_406 : vector<16xf32>
        tpu.vector_store_idx %arg14[%shift_right_arithmetic3A_9, %and3A_4, %broadcast_in_dim3A_400], %mul3A_407 : memref<4x8x128xf32, #tpu.memory_space<vmem>>[vector<16xi32>, vector<16xi32>, vector<16xi32>], vector<16xf32>,
        %get3A_408 = arith.index_cast %scan3A_399 : i32 to index
        %get3A_409 = arith.constant 16 : index
        %get3A_410 = tpu.vector_load %arg10[%get3A_408, %get3A_409] {strides = array<i32>} : memref<128x32xf32, #tpu.memory_space<vmem>>, vector<16xf32>,
        %get3A_411 = arith.index_cast %scan3A_399 : i32 to index
        %get3A_412 = arith.constant 16 : index
        %get3A_413 = tpu.vector_load %arg12[%get3A_411, %get3A_412] {strides = array<i32>} : memref<128x32xf32, #tpu.memory_space<vmem>>, vector<16xf32>,
        %mul3A_414 = arith.mulf %get3A_410, %get3A_413 : vector<16xf32>
        tpu.vector_store_idx %arg14[%shift_right_arithmetic3A_15, %and3A_4, %broadcast_in_dim3A_400], %mul3A_414 : memref<4x8x128xf32, #tpu.memory_space<vmem>>[vector<16xi32>, vector<16xi32>, vector<16xi32>], vector<16xf32>,
      }
      %scan3A_274 = arith.constant 128 : i32
      %add3A_275 = arith.constant 2 : i32
      %add3A_276 = arith.addi %add3A_208, %add3A_275 : i32
      %lt3A_277 = arith.constant 104 : i32
      %lt3A_278 = arith.cmpi slt, %add3A_276, %lt3A_277 : i32
      %convert_element_type3A_279 = arith.extui %lt3A_278 : i1 to i32
      %cond3A_280 = arith.constant 0 : i32
      %cond3A_281 = arith.cmpi ne, %convert_element_type3A_279, %cond3A_280 : i32
      scf.if %cond3A_281 {
        %add3A_350 = arith.constant 2 : i32
        %add3A_351 = arith.addi %add3A_208, %add3A_350 : i32
        %jit3A_352 = arith.constant 4 : i32
        %div3A_353 = arith.divsi %add3A_351, %jit3A_352 : i32
        %sign3A_354 = arith.constant 0 : i32
        %sign3A_355 = arith.cmpi sgt, %add3A_351, %sign3A_354 : i32
        %sign3A_356 = arith.extui %sign3A_355 : i1 to i32
        %sign3A_357 = arith.constant 0 : i32
        %sign3A_358 = arith.cmpi slt, %add3A_351, %sign3A_357 : i32
        %sign3A_359 = arith.extui %sign3A_358 : i1 to i32
        %sign3A_360 = arith.subi %sign3A_356, %sign3A_359 : i32
        %sign3A_361 = arith.constant 0 : i32
        %sign3A_362 = arith.cmpi sgt, %jit3A_352, %sign3A_361 : i32
        %sign3A_363 = arith.extui %sign3A_362 : i1 to i32
        %sign3A_364 = arith.constant 0 : i32
        %sign3A_365 = arith.cmpi slt, %jit3A_352, %sign3A_364 : i32
        %sign3A_366 = arith.extui %sign3A_365 : i1 to i32
        %sign3A_367 = arith.subi %sign3A_363, %sign3A_366 : i32
        %ne3A_368 = arith.cmpi ne, %sign3A_360, %sign3A_367 : i32
        %rem3A_369 = arith.remsi %add3A_351, %jit3A_352 : i32
        %ne3A_370 = arith.constant 0 : i32
        %ne3A_371 = arith.cmpi ne, %rem3A_369, %ne3A_370 : i32
        %and3A_372 = arith.andi %ne3A_368, %ne3A_371 : i1
        %sub3A_373 = arith.constant 1 : i32
        %sub3A_374 = arith.subi %div3A_353, %sub3A_373 : i32
        %select_n3A_375 = arith.select %and3A_372, %sub3A_374, %div3A_353 : i32
        %jit3A_376 = arith.constant 4 : i32
        %eq3A_377 = arith.constant 0 : i32
        %eq3A_378 = arith.cmpi eq, %jit3A_376, %eq3A_377 : i32
        %jit3A_379 = arith.constant 1 : i32
        %select_n3A_380 = arith.select %eq3A_378, %jit3A_379, %jit3A_376 : i32
        %rem3A_381 = arith.remsi %add3A_351, %select_n3A_380 : i32
        %ne3A_382 = arith.constant 0 : i32
        %ne3A_383 = arith.cmpi ne, %rem3A_381, %ne3A_382 : i32
        %lt3A_384 = arith.constant 0 : i32
        %lt3A_385 = arith.cmpi slt, %rem3A_381, %lt3A_384 : i32
        %lt3A_386 = arith.constant 0 : i32
        %lt3A_387 = arith.cmpi slt, %select_n3A_380, %lt3A_386 : i32
        %ne3A_388 = arith.xori %lt3A_385, %lt3A_387 : i1
        %and3A_389 = arith.andi %ne3A_388, %ne3A_383 : i1
        %add3A_390 = arith.addi %rem3A_381, %select_n3A_380 : i32
        %select_n3A_391 = arith.select %and3A_389, %add3A_390, %rem3A_381 : i32
        %mul3A_392 = arith.constant 128 : i32
        %mul3A_393 = arith.muli %select_n3A_391, %mul3A_392 : i32
        %dma_start3A_394 = tpu.memref_slice %arg7[%select_n3A_375, %mul3A_393] : memref<26x512xi32, #tpu.memory_space<vmem>> -> memref<1x128xi32, #tpu.memory_space<vmem>>
        %dma_start3A_395 = tpu.memref_squeeze %dma_start3A_394 : memref<1x128xi32, #tpu.memory_space<vmem>> -> memref<128xi32, #tpu.memory_space<vmem>>
        %dma_start3A_396 = arith.constant 0 : i32
        %dma_start3A_397 = arith.constant 0 : i32
        %dma_start3A_398 = tpu.memref_slice %arg4[%dma_start3A_396, %dma_start3A_397] : memref<1015808x32xf32, #tpu.memory_space<hbm>> -> memref<1015808x32xf32, #tpu.memory_space<hbm>>
        tpu.enqueue_indirect_dma source(%dma_start3A_398 : memref<1015808x32xf32, #tpu.memory_space<hbm>>) target(%arg10 : memref<128x32xf32, #tpu.memory_space<vmem>>) offsets(%dma_start3A_395 : memref<128xi32, #tpu.memory_space<vmem>>) semaphore(%arg16 : memref<!tpu.dma_semaphore, #tpu.memory_space<semaphore_mem>>)
        %dma_start3A_399 = tpu.memref_slice %arg8[%select_n3A_375, %mul3A_393] : memref<26x512xi32, #tpu.memory_space<vmem>> -> memref<1x128xi32, #tpu.memory_space<vmem>>
        %dma_start3A_400 = tpu.memref_squeeze %dma_start3A_399 : memref<1x128xi32, #tpu.memory_space<vmem>> -> memref<128xi32, #tpu.memory_space<vmem>>
        %dma_start3A_401 = arith.constant 0 : i32
        %dma_start3A_402 = arith.constant 0 : i32
        %dma_start3A_403 = tpu.memref_slice %arg5[%dma_start3A_401, %dma_start3A_402] : memref<1015808x32xf32, #tpu.memory_space<hbm>> -> memref<1015808x32xf32, #tpu.memory_space<hbm>>
        tpu.enqueue_indirect_dma source(%dma_start3A_403 : memref<1015808x32xf32, #tpu.memory_space<hbm>>) target(%arg12 : memref<128x32xf32, #tpu.memory_space<vmem>>) offsets(%dma_start3A_400 : memref<128xi32, #tpu.memory_space<vmem>>) semaphore(%arg16 : memref<!tpu.dma_semaphore, #tpu.memory_space<semaphore_mem>>)
      } else {
      }
      %dma_start3A_282 = arith.constant 0 : i32
      %dma_start3A_283 = arith.constant 0 : i32
      %dma_start3A_284 = arith.constant 0 : i32
      %dma_start3A_285 = arith.constant 0 : i32
      %dma_start3A_286 = tpu.memref_slice %arg14[%dma_start3A_283, %dma_start3A_284, %dma_start3A_285] : memref<4x8x128xf32, #tpu.memory_space<vmem>> -> memref<1x8x128xf32, #tpu.memory_space<vmem>>
      %dma_start3A_287 = arith.constant 0 : i32
      %dma_start3A_288 = arith.constant 0 : i32
      %dma_start3A_289 = tpu.memref_slice %arg6[%select_n3A_232, %dma_start3A_282, %add3A_251, %dma_start3A_287, %dma_start3A_288] : memref<26x4x128x8x128xf32, #tpu.memory_space<hbm>> -> memref<1x1x1x8x128xf32, #tpu.memory_space<hbm>>
      %dma_start3A_290 = tpu.memref_squeeze %dma_start3A_289 : memref<1x1x1x8x128xf32, #tpu.memory_space<hbm>> -> memref<1x8x128xf32, #tpu.memory_space<hbm>>
      %dma_start3A_291 = arith.constant 0 : i32
      %dma_start3A_292 = arith.constant 0 : i32
      %dma_start3A_293 = tpu.memref_slice %arg6[%select_n3A_232, %dma_start3A_282, %add3A_251, %dma_start3A_291, %dma_start3A_292] : memref<26x4x128x8x128xf32, #tpu.memory_space<hbm>> -> memref<1x1x1x8x128xf32, #tpu.memory_space<hbm>>
      %dma_start3A_294 = tpu.memref_squeeze %dma_start3A_293 : memref<1x1x1x8x128xf32, #tpu.memory_space<hbm>> -> memref<1x8x128xf32, #tpu.memory_space<hbm>>
      %dma_start3A_295 = arith.constant 0 : i32
      %dma_start3A_296 = arith.constant 0 : i32
      %dma_start3A_297 = arith.constant 0 : i32
      %dma_start3A_298 = tpu.memref_slice %arg14[%dma_start3A_295, %dma_start3A_296, %dma_start3A_297] : memref<4x8x128xf32, #tpu.memory_space<vmem>> -> memref<1x8x128xf32, #tpu.memory_space<vmem>>
      tpu.enqueue_dma source(%dma_start3A_298 : memref<1x8x128xf32, #tpu.memory_space<vmem>>) target(%dma_start3A_294 : memref<1x8x128xf32, #tpu.memory_space<hbm>>) target_semaphore(%arg18 : memref<!tpu.dma_semaphore, #tpu.memory_space<semaphore_mem>>)
      %dma_start3A_299 = arith.constant 1 : i32
      %dma_start3A_300 = arith.constant 1 : i32
      %dma_start3A_301 = arith.constant 0 : i32
      %dma_start3A_302 = arith.constant 0 : i32
      %dma_start3A_303 = tpu.memref_slice %arg14[%dma_start3A_300, %dma_start3A_301, %dma_start3A_302] : memref<4x8x128xf32, #tpu.memory_space<vmem>> -> memref<1x8x128xf32, #tpu.memory_space<vmem>>
      %dma_start3A_304 = arith.constant 0 : i32
      %dma_start3A_305 = arith.constant 0 : i32
      %dma_start3A_306 = tpu.memref_slice %arg6[%select_n3A_232, %dma_start3A_299, %add3A_251, %dma_start3A_304, %dma_start3A_305] : memref<26x4x128x8x128xf32, #tpu.memory_space<hbm>> -> memref<1x1x1x8x128xf32, #tpu.memory_space<hbm>>
      %dma_start3A_307 = tpu.memref_squeeze %dma_start3A_306 : memref<1x1x1x8x128xf32, #tpu.memory_space<hbm>> -> memref<1x8x128xf32, #tpu.memory_space<hbm>>
      %dma_start3A_308 = arith.constant 0 : i32
      %dma_start3A_309 = arith.constant 0 : i32
      %dma_start3A_310 = tpu.memref_slice %arg6[%select_n3A_232, %dma_start3A_299, %add3A_251, %dma_start3A_308, %dma_start3A_309] : memref<26x4x128x8x128xf32, #tpu.memory_space<hbm>> -> memref<1x1x1x8x128xf32, #tpu.memory_space<hbm>>
      %dma_start3A_311 = tpu.memref_squeeze %dma_start3A_310 : memref<1x1x1x8x128xf32, #tpu.memory_space<hbm>> -> memref<1x8x128xf32, #tpu.memory_space<hbm>>
      %dma_start3A_312 = arith.constant 1 : i32
      %dma_start3A_313 = arith.constant 0 : i32
      %dma_start3A_314 = arith.constant 0 : i32
      %dma_start3A_315 = tpu.memref_slice %arg14[%dma_start3A_312, %dma_start3A_313, %dma_start3A_314] : memref<4x8x128xf32, #tpu.memory_space<vmem>> -> memref<1x8x128xf32, #tpu.memory_space<vmem>>
      tpu.enqueue_dma source(%dma_start3A_315 : memref<1x8x128xf32, #tpu.memory_space<vmem>>) target(%dma_start3A_311 : memref<1x8x128xf32, #tpu.memory_space<hbm>>) target_semaphore(%arg18 : memref<!tpu.dma_semaphore, #tpu.memory_space<semaphore_mem>>)
      %dma_start3A_316 = arith.constant 2 : i32
      %dma_start3A_317 = arith.constant 2 : i32
      %dma_start3A_318 = arith.constant 0 : i32
      %dma_start3A_319 = arith.constant 0 : i32
      %dma_start3A_320 = tpu.memref_slice %arg14[%dma_start3A_317, %dma_start3A_318, %dma_start3A_319] : memref<4x8x128xf32, #tpu.memory_space<vmem>> -> memref<1x8x128xf32, #tpu.memory_space<vmem>>
      %dma_start3A_321 = arith.constant 0 : i32
      %dma_start3A_322 = arith.constant 0 : i32
      %dma_start3A_323 = tpu.memref_slice %arg6[%select_n3A_232, %dma_start3A_316, %add3A_251, %dma_start3A_321, %dma_start3A_322] : memref<26x4x128x8x128xf32, #tpu.memory_space<hbm>> -> memref<1x1x1x8x128xf32, #tpu.memory_space<hbm>>
      %dma_start3A_324 = tpu.memref_squeeze %dma_start3A_323 : memref<1x1x1x8x128xf32, #tpu.memory_space<hbm>> -> memref<1x8x128xf32, #tpu.memory_space<hbm>>
      %dma_start3A_325 = arith.constant 0 : i32
      %dma_start3A_326 = arith.constant 0 : i32
      %dma_start3A_327 = tpu.memref_slice %arg6[%select_n3A_232, %dma_start3A_316, %add3A_251, %dma_start3A_325, %dma_start3A_326] : memref<26x4x128x8x128xf32, #tpu.memory_space<hbm>> -> memref<1x1x1x8x128xf32, #tpu.memory_space<hbm>>
      %dma_start3A_328 = tpu.memref_squeeze %dma_start3A_327 : memref<1x1x1x8x128xf32, #tpu.memory_space<hbm>> -> memref<1x8x128xf32, #tpu.memory_space<hbm>>
      %dma_start3A_329 = arith.constant 2 : i32
      %dma_start3A_330 = arith.constant 0 : i32
      %dma_start3A_331 = arith.constant 0 : i32
      %dma_start3A_332 = tpu.memref_slice %arg14[%dma_start3A_329, %dma_start3A_330, %dma_start3A_331] : memref<4x8x128xf32, #tpu.memory_space<vmem>> -> memref<1x8x128xf32, #tpu.memory_space<vmem>>
      tpu.enqueue_dma source(%dma_start3A_332 : memref<1x8x128xf32, #tpu.memory_space<vmem>>) target(%dma_start3A_328 : memref<1x8x128xf32, #tpu.memory_space<hbm>>) target_semaphore(%arg18 : memref<!tpu.dma_semaphore, #tpu.memory_space<semaphore_mem>>)
      %dma_start3A_333 = arith.constant 3 : i32
      %dma_start3A_334 = arith.constant 3 : i32
      %dma_start3A_335 = arith.constant 0 : i32
      %dma_start3A_336 = arith.constant 0 : i32
      %dma_start3A_337 = tpu.memref_slice %arg14[%dma_start3A_334, %dma_start3A_335, %dma_start3A_336] : memref<4x8x128xf32, #tpu.memory_space<vmem>> -> memref<1x8x128xf32, #tpu.memory_space<vmem>>
      %dma_start3A_338 = arith.constant 0 : i32
      %dma_start3A_339 = arith.constant 0 : i32
      %dma_start3A_340 = tpu.memref_slice %arg6[%select_n3A_232, %dma_start3A_333, %add3A_251, %dma_start3A_338, %dma_start3A_339] : memref<26x4x128x8x128xf32, #tpu.memory_space<hbm>> -> memref<1x1x1x8x128xf32, #tpu.memory_space<hbm>>
      %dma_start3A_341 = tpu.memref_squeeze %dma_start3A_340 : memref<1x1x1x8x128xf32, #tpu.memory_space<hbm>> -> memref<1x8x128xf32, #tpu.memory_space<hbm>>
      %dma_start3A_342 = arith.constant 0 : i32
      %dma_start3A_343 = arith.constant 0 : i32
      %dma_start3A_344 = tpu.memref_slice %arg6[%select_n3A_232, %dma_start3A_333, %add3A_251, %dma_start3A_342, %dma_start3A_343] : memref<26x4x128x8x128xf32, #tpu.memory_space<hbm>> -> memref<1x1x1x8x128xf32, #tpu.memory_space<hbm>>
      %dma_start3A_345 = tpu.memref_squeeze %dma_start3A_344 : memref<1x1x1x8x128xf32, #tpu.memory_space<hbm>> -> memref<1x8x128xf32, #tpu.memory_space<hbm>>
      %dma_start3A_346 = arith.constant 3 : i32
      %dma_start3A_347 = arith.constant 0 : i32
      %dma_start3A_348 = arith.constant 0 : i32
      %dma_start3A_349 = tpu.memref_slice %arg14[%dma_start3A_346, %dma_start3A_347, %dma_start3A_348] : memref<4x8x128xf32, #tpu.memory_space<vmem>> -> memref<1x8x128xf32, #tpu.memory_space<vmem>>
      tpu.enqueue_dma source(%dma_start3A_349 : memref<1x8x128xf32, #tpu.memory_space<vmem>>) target(%dma_start3A_345 : memref<1x8x128xf32, #tpu.memory_space<hbm>>) target_semaphore(%arg18 : memref<!tpu.dma_semaphore, #tpu.memory_space<semaphore_mem>>)
    }
    %scan3A_47 = arith.constant 52 : i32
    %dma_wait3A = arith.constant 0 : i32
    %dma_wait3A_48 = arith.constant 0 : i32
    %dma_wait3A_49 = arith.constant 0 : i32
    %dma_wait3A_50 = arith.constant 0 : i32
    %dma_wait3A_51 = arith.constant 0 : i32
    %dma_wait3A_52 = tpu.memref_slice %arg6[%dma_wait3A, %dma_wait3A_48, %dma_wait3A_49, %dma_wait3A_50, %dma_wait3A_51] : memref<26x4x128x8x128xf32, #tpu.memory_space<hbm>> -> memref<1x1x4x8x128xf32, #tpu.memory_space<hbm>>
    %dma_wait3A_53 = tpu.memref_squeeze %dma_wait3A_52 : memref<1x1x4x8x128xf32, #tpu.memory_space<hbm>> -> memref<4x8x128xf32, #tpu.memory_space<hbm>>
    %dma_wait3A_54 = arith.constant 0 : i32
    %dma_wait3A_55 = arith.constant 0 : i32
    %dma_wait3A_56 = arith.constant 0 : i32
    %dma_wait3A_57 = tpu.memref_slice %arg6[%dma_wait3A, %dma_wait3A_48, %dma_wait3A_54, %dma_wait3A_55, %dma_wait3A_56] : memref<26x4x128x8x128xf32, #tpu.memory_space<hbm>> -> memref<1x1x4x8x128xf32, #tpu.memory_space<hbm>>
    %dma_wait3A_58 = tpu.memref_squeeze %dma_wait3A_57 : memref<1x1x4x8x128xf32, #tpu.memory_space<hbm>> -> memref<4x8x128xf32, #tpu.memory_space<hbm>>
    tpu.wait_dma2 semaphore(%arg17 : memref<!tpu.dma_semaphore, #tpu.memory_space<semaphore_mem>>) src(%arg13 : memref<4x8x128xf32, #tpu.memory_space<vmem>>) dst(%dma_wait3A_58 : memref<4x8x128xf32, #tpu.memory_space<hbm>>)
    %dma_wait3A_59 = arith.constant 0 : i32
    %dma_wait3A_60 = arith.constant 0 : i32
    %dma_wait3A_61 = arith.constant 0 : i32
    %dma_wait3A_62 = arith.constant 0 : i32
    %dma_wait3A_63 = arith.constant 0 : i32
    %dma_wait3A_64 = tpu.memref_slice %arg6[%dma_wait3A_59, %dma_wait3A_60, %dma_wait3A_61, %dma_wait3A_62, %dma_wait3A_63] : memref<26x4x128x8x128xf32, #tpu.memory_space<hbm>> -> memref<1x1x4x8x128xf32, #tpu.memory_space<hbm>>
    %dma_wait3A_65 = tpu.memref_squeeze %dma_wait3A_64 : memref<1x1x4x8x128xf32, #tpu.memory_space<hbm>> -> memref<4x8x128xf32, #tpu.memory_space<hbm>>
    %dma_wait3A_66 = arith.constant 0 : i32
    %dma_wait3A_67 = arith.constant 0 : i32
    %dma_wait3A_68 = arith.constant 0 : i32
    %dma_wait3A_69 = tpu.memref_slice %arg6[%dma_wait3A_59, %dma_wait3A_60, %dma_wait3A_66, %dma_wait3A_67, %dma_wait3A_68] : memref<26x4x128x8x128xf32, #tpu.memory_space<hbm>> -> memref<1x1x4x8x128xf32, #tpu.memory_space<hbm>>
    %dma_wait3A_70 = tpu.memref_squeeze %dma_wait3A_69 : memref<1x1x4x8x128xf32, #tpu.memory_space<hbm>> -> memref<4x8x128xf32, #tpu.memory_space<hbm>>
    tpu.wait_dma2 semaphore(%arg18 : memref<!tpu.dma_semaphore, #tpu.memory_space<semaphore_mem>>) src(%arg14 : memref<4x8x128xf32, #tpu.memory_space<vmem>>) dst(%dma_wait3A_70 : memref<4x8x128xf32, #tpu.memory_space<hbm>>)
    return
  }
}

module attributes {stable_mosaic.version = 14 : i64} {
  func.func @body(%arg0: i32, %arg1: memref<32x4096xf32, #tpu.memory_space<vmem>>, %arg2: memref<32x4096xf32, #tpu.memory_space<vmem>>, %arg3: memref<32x4096xf32, #tpu.memory_space<vmem>>, %arg4: memref<32x4096xf32, #tpu.memory_space<vmem>>, %arg5: memref<4096x128xf32, #tpu.memory_space<vmem>>) attributes {dimension_semantics = [#tpu.dimension_semantics<arbitrary>], iteration_bounds = array<i64: 62>, scalar_prefetch = 0 : i64, scratch_operands = 0 : i64, tpu.core_type = #tpu.core_type<tc>, window_params = [{transform_indices = @transform_0, window_bounds = array<i64: 32, 4096>}, {transform_indices = @transform_1, window_bounds = array<i64: 32, 4096>}, {transform_indices = @transform_2, window_bounds = array<i64: 32, 4096>}, {transform_indices = @transform_3, window_bounds = array<i64: 32, 4096>}, {transform_indices = @transform_4, window_bounds = array<i64: 4096, 128>}]} {
    %get3A = arith.constant 0 : index
    %get3A_0 = arith.constant 0 : index
    %get3A_1 = vector.load %arg1[%get3A, %get3A_0] : memref<32x4096xf32, #tpu.memory_space<vmem>>, vector<32x4096xf32>
    %transpose3A = tpu.transpose %get3A_1, [1, 0] : vector<32x4096xf32> -> vector<4096x32xf32>
    %swap3A = arith.constant 0 : index
    %swap3A_2 = arith.constant 0 : index
    %swap3A_3 = vector.load %arg5[%swap3A, %swap3A_2] : memref<4096x128xf32, #tpu.memory_space<vmem>>, vector<4096x32xf32>
    tpu.vector_store %arg5[%swap3A, %swap3A_2], %transpose3A {strides = array<i32>} : memref<4096x128xf32, #tpu.memory_space<vmem>>, vector<4096x32xf32>,
    %get3A_4 = arith.constant 0 : index
    %get3A_5 = arith.constant 0 : index
    %get3A_6 = vector.load %arg2[%get3A_4, %get3A_5] : memref<32x4096xf32, #tpu.memory_space<vmem>>, vector<32x4096xf32>
    %transpose3A_7 = tpu.transpose %get3A_6, [1, 0] : vector<32x4096xf32> -> vector<4096x32xf32>
    %swap3A_8 = arith.constant 0 : index
    %swap3A_9 = arith.constant 32 : index
    %swap3A_10 = vector.load %arg5[%swap3A_8, %swap3A_9] : memref<4096x128xf32, #tpu.memory_space<vmem>>, vector<4096x32xf32>
    tpu.vector_store %arg5[%swap3A_8, %swap3A_9], %transpose3A_7 {strides = array<i32>} : memref<4096x128xf32, #tpu.memory_space<vmem>>, vector<4096x32xf32>,
    %get3A_11 = arith.constant 0 : index
    %get3A_12 = arith.constant 0 : index
    %get3A_13 = vector.load %arg3[%get3A_11, %get3A_12] : memref<32x4096xf32, #tpu.memory_space<vmem>>, vector<32x4096xf32>
    %transpose3A_14 = tpu.transpose %get3A_13, [1, 0] : vector<32x4096xf32> -> vector<4096x32xf32>
    %swap3A_15 = arith.constant 0 : index
    %swap3A_16 = arith.constant 64 : index
    %swap3A_17 = vector.load %arg5[%swap3A_15, %swap3A_16] : memref<4096x128xf32, #tpu.memory_space<vmem>>, vector<4096x32xf32>
    tpu.vector_store %arg5[%swap3A_15, %swap3A_16], %transpose3A_14 {strides = array<i32>} : memref<4096x128xf32, #tpu.memory_space<vmem>>, vector<4096x32xf32>,
    %get3A_18 = arith.constant 0 : index
    %get3A_19 = arith.constant 0 : index
    %get3A_20 = vector.load %arg4[%get3A_18, %get3A_19] : memref<32x4096xf32, #tpu.memory_space<vmem>>, vector<32x4096xf32>
    %transpose3A_21 = tpu.transpose %get3A_20, [1, 0] : vector<32x4096xf32> -> vector<4096x32xf32>
    %swap3A_22 = arith.constant 0 : index
    %swap3A_23 = arith.constant 96 : index
    %swap3A_24 = vector.load %arg5[%swap3A_22, %swap3A_23] : memref<4096x128xf32, #tpu.memory_space<vmem>>, vector<4096x32xf32>
    tpu.vector_store %arg5[%swap3A_22, %swap3A_23], %transpose3A_21 {strides = array<i32>} : memref<4096x128xf32, #tpu.memory_space<vmem>>, vector<4096x32xf32>,
    return
  }
  func.func @transform_0(%arg0: i32) -> (i32, i32) {
    %mul3A = arith.constant 4 : i32
    %mul3A_0 = arith.muli %mul3A, %arg0 : i32
    %add3A = arith.constant 0 : i32
    %add3A_1 = arith.addi %mul3A_0, %add3A : i32
    %min3A = arith.constant 244 : i32
    %min3A_2 = arith.minsi %add3A_1, %min3A : i32
    %c0_i32 = arith.constant 0 : i32
    %c0_i32_3 = arith.constant 0 : i32
    return %c0_i32, %min3A_2 : i32, i32
  }
  func.func @transform_1(%arg0: i32) -> (i32, i32) {
    %mul3A = arith.constant 4 : i32
    %mul3A_0 = arith.muli %mul3A, %arg0 : i32
    %add3A = arith.constant 1 : i32
    %add3A_1 = arith.addi %mul3A_0, %add3A : i32
    %min3A = arith.constant 244 : i32
    %min3A_2 = arith.minsi %add3A_1, %min3A : i32
    %c0_i32 = arith.constant 0 : i32
    %c0_i32_3 = arith.constant 0 : i32
    return %c0_i32, %min3A_2 : i32, i32
  }
  func.func @transform_2(%arg0: i32) -> (i32, i32) {
    %mul3A = arith.constant 4 : i32
    %mul3A_0 = arith.muli %mul3A, %arg0 : i32
    %add3A = arith.constant 2 : i32
    %add3A_1 = arith.addi %mul3A_0, %add3A : i32
    %min3A = arith.constant 244 : i32
    %min3A_2 = arith.minsi %add3A_1, %min3A : i32
    %c0_i32 = arith.constant 0 : i32
    %c0_i32_3 = arith.constant 0 : i32
    return %c0_i32, %min3A_2 : i32, i32
  }
  func.func @transform_3(%arg0: i32) -> (i32, i32) {
    %mul3A = arith.constant 4 : i32
    %mul3A_0 = arith.muli %mul3A, %arg0 : i32
    %add3A = arith.constant 3 : i32
    %add3A_1 = arith.addi %mul3A_0, %add3A : i32
    %min3A = arith.constant 244 : i32
    %min3A_2 = arith.minsi %add3A_1, %min3A : i32
    %c0_i32 = arith.constant 0 : i32
    %c0_i32_3 = arith.constant 0 : i32
    return %c0_i32, %min3A_2 : i32, i32
  }
  func.func @transform_4(%arg0: i32) -> (i32, i32) {
    %c0_i32 = arith.constant 0 : i32
    %c0_i32_0 = arith.constant 0 : i32
    return %arg0, %c0_i32 : i32, i32
  }
}

</mosaic_0001>

<sc_bundles>
// kernel: kernel.5.cloned.1.call-start
scs
__scs_entry_jumppad:
0x0: {  	(pc) =	sbr.rel $0x88, $3  }
0x1: {  	(tag) =	ssettag $0x0;
	lr =	simm.s32 $0x1  }
0x2: {  	[smem:$0x3F9D] =	sst lr;
	_ =	strace $0xD0000000  }
0x3: {  	_ = 	snop  }
0x4: {  	_ = 	snop  }
0x5: {  	_ = 	snop  }
0x6: {  	_ = 	snop  }
0x7: {  	_ = 	snop  }
__scs_overlays_trampoline_lowered:
0x8: {  	[smem:$0x3FAC] =	sst s0  }
0x9: {  	[smem:$0x3FAD] =	sst s1  }
0xa: {  	[smem:$0x3FAE] =	sst s2  }
0xb: {  	[smem:$0x3FAF] =	sst s3  }
0xc: {  	[smem:$0x3FB0] =	sst s4  }
0xd: {  	[smem:$0x3FB1] =	sst s5  }
0xe: {  	[smem:$0x3FB2] =	sst s6  }
0xf: {  	[smem:$0x3FB3] =	sst s7  }
0x10: {  	[smem:$0x3FB4] =	sst s8  }
0x11: {  	[smem:$0x3FB5] =	sst s9;
	s0 =	simm.s32 @!p0 $0x0  }
0x12: {  	s1 =	sld [smem:$0x3F9B];
	s0 =	simm.s32 @p0 $0x1  }
0x13: {  	[smem:$0x3FB6] =	sst s0;
	s0 =	simm.s32 @!p1 $0x0  }
0x14: {  	s2 =	sld [smem:$0x3F9A];
	s0 =	simm.s32 @p1 $0x1  }
0x15: {  	[smem:$0x3FB7] =	sst s0;
	s0 =	simm.s32 @!p2 $0x0  }
0x16: {  	s3 =	sld [smem:$0x3FDB];
	s0 =	simm.s32 @p2 $0x1  }
0x17: {  	s4 =	simm.s32 $0x1BF5;
	[smem:$0x3FB9] =	sst s0  }
0x18: {  	s0 =	sld [smem:$0x3F9C];
	_ =	swait.ge [sflag:s4], $0x0  }
0x19: {  	s7 =	sld [smem:$0x3F9D]  }
0x1a: {  	s8 =	sadd.s32 $0xFFFFE003, lr  }
0x1b: {  	s9 =	sadd.s32 $0xFFFFFEF7, lr;
	s5 =	simm.s32 $0xFFFFFFFF;
	p2 =	slt.u32 s8, $0xFFFFF086  }
0x1c: {  	p1 =	slt.u32 s9, $0xF7A;
	s5 =	simm.s32 @!p2 $0x0  }
0x1d: {  	s5 =	simm.s32 @p1 $0x1;
	p0 =	seq.s32 s7, s2  }
0x1e: {  	s7 =	smul.u32 @!p0 $0xF7A, s2;
	p2 =	seq.s32 @!p0 s5, $0x0  }
0x1f: {  	s9 =	smul.u32 $0xF7A, s1;
	s8 =	simm.s32 @!p0 $0x1BF5;
	p2 =	por !p2, p0  }
0x20: {  	[sflag:s8] =	ssyncset.s32 @!p0 $0xFFFFF086;
	s6 =	sadd.s32 @!p0 s3, s7;
	s7 =	simm.s32 @!p0 $0x108  }
0x21: {  	s3 =	sadd.s32 s3, s9;
	s6 =	sadd.s32 @!p0 $0x88, s6;
	s7 =	simm.s32 @p2 $0x1082  }
0x22: {  	[simem:s7], [sflag:s8] =	dma.local @!p0 [hbm:s6], $0xF7A  }
0x23: {  	s9 =	sor.u32 $0xD0000000, s2;
	s6 =	simm.s32 $0x108;
	_ =	swait.ge @!p0 [sflag:s8], $0x0  }
0x24: {  	s3 =	sadd.s32 $0x88, s3;
	s6 =	simm.s32 @!p1 $0x1082;
	[sflag:s4] =	ssyncset.s32 $0xFFFFF086  }
0x25: {  	[simem:s6], [sflag:s4] =	dma.local [hbm:s3], $0xF7A  }
0x26: {  	[smem:$0x3F9D] =	sst s1;
	(tag) =	ssettag s2;
	_ =	strace s9  }
0x27: {  	s1 =	sld [smem:$0x3FAD]  }
0x28: {  	s2 =	sld [smem:$0x3FAE]  }
0x29: {  	s4 =	sld [smem:$0x3FB0]  }
0x2a: {  	p0 =	seq.s32 s5, $0x0;
	s5 =	sld [smem:$0x3FB1]  }
0x2b: {  	s6 =	sld [smem:$0x3FB2]  }
0x2c: {  	s7 =	sld [smem:$0x3FB3]  }
0x2d: {  	s3 =	simm.s32 $0x108;
	s8 =	sld [smem:$0x3FB4]  }
0x2e: {  	s3 =	simm.s32 @!p0 $0x1082;
	s9 =	sld [smem:$0x3FB5]  }
0x2f: {  	lr =	sadd.s32 s0, s3;
	s0 =	sld [smem:$0x3FAC]  }
0x30: {  	s3 =	sld [smem:$0x3FAF]  }
0x31: {  	[smem:$0x3FB8] =	sst s10  }
0x32: {  	s10 =	sld [smem:$0x3FB6];
	_ =	sdelay $0x3  }
0x33: {  	p0 =	seq.s32 s10, $0x1;
	s10 =	sld [smem:$0x3FB8];
	_ =	sdelay $0x3  }
0x34: {  	[smem:$0x3FB8] =	sst s10  }
0x35: {  	s10 =	sld [smem:$0x3FB7];
	_ =	sdelay $0x3  }
0x36: {  	p1 =	seq.s32 s10, $0x1;
	s10 =	sld [smem:$0x3FB8];
	_ =	sdelay $0x3  }
0x37: {  	[smem:$0x3FB8] =	sst s10  }
0x38: {  	s10 =	sld [smem:$0x3FB9]  }
0x39: {  	_ = 	snop;
	(pc) =	sbr.ind lr, $3  }
0x3a: {  	_ = 	snop  }
0x3b: {  	_ = 	snop  }
0x3c: {  	p2 =	seq.s32 s10, $0x1;
	s10 =	sld [smem:$0x3FB8]  }
0x3d: {  	_ =	shalt  }
0x3e: {  	_ =	shalt  }
0x3f: {  	_ =	shalt  }
0x40: {  	_ =	shalt  }
0x41: {  	_ =	shalt  }
0x42: {  	_ =	shalt  }
0x43: {  	_ =	shalt  }
0x44: {  	_ =	shalt  }
0x45: {  	_ =	shalt  }
0x46: {  	_ =	shalt  }
0x47: {  	_ =	shalt  }
0x48: {  	_ =	shalt  }
0x49: {  	_ =	shalt  }
0x4a: {  	_ =	shalt  }
0x4b: {  	_ =	shalt  }
0x4c: {  	_ =	shalt  }
0x4d: {  	_ =	shalt  }
0x4e: {  	_ =	shalt  }
0x4f: {  	_ =	shalt  }
0x50: {  	_ =	shalt  }
0x51: {  	_ =	shalt  }
0x52: {  	_ =	shalt  }
0x53: {  	_ =	shalt  }
0x54: {  	_ =	shalt  }
0x55: {  	_ =	shalt  }
0x56: {  	_ =	shalt  }
0x57: {  	_ =	shalt  }
0x58: {  	_ =	shalt  }
0x59: {  	_ =	shalt  }
0x5a: {  	_ =	shalt  }
0x5b: {  	_ =	shalt  }
0x5c: {  	_ =	shalt  }
0x5d: {  	_ =	shalt  }
0x5e: {  	_ =	shalt  }
0x5f: {  	_ =	shalt  }
0x60: {  	_ =	shalt  }
0x61: {  	_ =	shalt  }
0x62: {  	_ =	shalt  }
0x63: {  	_ =	shalt  }
0x64: {  	_ =	shalt  }
0x65: {  	_ =	shalt  }
0x66: {  	_ =	shalt  }
0x67: {  	_ =	shalt  }
0x68: {  	_ =	shalt  }
0x69: {  	_ =	shalt  }
0x6a: {  	_ =	shalt  }
0x6b: {  	_ =	shalt  }
0x6c: {  	_ =	shalt  }
0x6d: {  	_ =	shalt  }
0x6e: {  	_ =	shalt  }
0x6f: {  	_ =	shalt  }
0x70: {  	_ =	shalt  }
0x71: {  	_ =	shalt  }
0x72: {  	_ =	shalt  }
0x73: {  	_ =	shalt  }
0x74: {  	_ =	shalt  }
0x75: {  	_ =	shalt  }
0x76: {  	_ =	shalt  }
0x77: {  	_ =	shalt  }
0x78: {  	_ =	shalt  }
0x79: {  	_ =	shalt  }
0x7a: {  	_ =	shalt  }
0x7b: {  	_ =	shalt  }
0x7c: {  	_ =	shalt  }
0x7d: {  	_ =	shalt  }
0x7e: {  	_ =	shalt  }
0x7f: {  	_ =	shalt  }
0x80: {  	_ =	shalt  }
0x81: {  	_ =	shalt  }
0x82: {  	_ =	shalt  }
0x83: {  	_ =	shalt  }
0x84: {  	_ =	shalt  }
0x85: {  	_ =	shalt  }
0x86: {  	_ =	shalt  }
0x87: {  	_ =	shalt  }
.Lfunc_end0:
.L_simem_size_0:
called_computation_lowered:
.L_overlay_start_0:
0x88: {  	s2 =	sld [smem:$0x3FD9]  }
0x89: {  	s3 =	sld [smem:$0x3FFE];
	_ =	sdelay $0x1  }
0x8a: {  	s1 =	srdreg.scid  }
0x8b: {  	s0 =	sand.u32 $0x1, s1  }
0x8c: {  	s17 =	sshll.u32 s0, $0xA;
	s2 =	sadd.s32 s3, s2  }
0x8d: {  	s2 =	sadd.s32 s2, s17  }
0x8e: {  	[smem:$0x3FC4] =	sst s2  }
0x8f: {  	_ = 	snop  }
0x90: {  	s2 =	sld [smem:$0x3FD0];
	(tm) =	ssettm $0x1  }
0x91: {  	s18 =	sld [smem:$0x3FFB];
	_ =	sdelay $0x3  }
0x92: {  	_ =	strace s18  }
0x93: {  	s3 =	sld [smem:$0x3FFC];
	_ =	sdelay $0x3  }
0x94: {  	_ =	strace s3  }
0x95: {  	s3 =	sld [smem:$0x3FFD];
	_ =	sdelay $0x3  }
0x96: {  	_ =	strace s3  }
0x97: {  	_ =	strace $0x8FFFFFFF  }
0x98: {  	s19 =	sld [smem:$0x3FDB];
	_ =	sdelay $0x1  }
0x99: {  	s4 =	simm.s32 $_scs_section_size  }
0x9a: {  	s5 =	simm.s32 $_size__tile_overlayer_lowered;
	s6 =	simm.s32 $_tile_overlayer_lowered  }
0x9b: {  	s22 =	simm.s32 $0x1BFF;
	s21 =	sshll.u32 s6, $0x1;
	s3 =	sadd.s32 s4, s19  }
0x9c: {  	s7 =	simm.s32 $0x0;
	s20 =	sshll.u32 s5, $0x1;
	s5 =	sadd.s32 s21, s3  }
0x9d: {  	[timem:s7], [sflag:s22] =	dma.local [hbm:s5], s20  }
0x9e: {  	_ =	swait.ge [sflag:s22], s20  }
0x9f: {  	s4 =	ssub.s32 $0x0, s20;
	[sflag:s22] =	ssyncset.done $0x0  }
0xa0: {  	[sflag:s22] =	ssyncadd.s32 s4;
	_ =	sdelay $0x1  }
0xa1: {  	s23 =	simm.s32 $0x1B8B  }
0xa2: {  	_ =	swait.ge [sflag:s23], $0x1  }
0xa3: {  	[sflag:s23] =	ssyncset.done $0x0  }
0xa4: {  	s25 =	simm.s32 $0x1B8E;
	s24 =	sld [smem:$0x3FFE];
	[sflag:s23] =	ssyncadd.s32 $0xFFFFFFFF  }
0xa5: {  	s26 =	simm.s32 $execute0_lowered;
	[smem:$0x3FD2] =	sst s25  }
0xa6: {  	s5 =	sshll.u32 s26, $0x1;
	_ =	strace $0x80000046;
	[dreg:$0x1] =	wrdreg $0xFFFFFFFF  }
0xa7: {  	s28 =	simm.s32 $_size_execute0_lowered;
	s3 =	sadd.s32 s3, s5;
	[dreg:$0x0] =	wrdreg $0x0  }
0xa8: {  	s5 =	sshll.u32 s28, $0x1;
	[dreg:$0x2] =	wrdreg s3  }
0xa9: {  	[dreg:$0x3] =	wrdreg s5  }
0xaa: {  	[dreg:$0x4] =	wrdreg $0xC0  }
0xab: {  	_ =	task [dreg:s7], $0x5FFFF  }
0xac: {  	[dreg:$0x1] =	wrdreg $0xFFFFFFFF  }
0xad: {  	[dreg:$0x0] =	wrdreg $0x60  }
0xae: {  	[dreg:$0x2] =	wrdreg s24  }
0xaf: {  	[dreg:$0x3] =	wrdreg s2  }
0xb0: {  	[dreg:$0x4] =	wrdreg $0x9  }
0xb1: {  	_ =	task.clear_ibuf [dreg:s7], $0x5FFFF;
	_ =	strace $0x90000046  }
0xb2: {  	s29 =	simm.s32 $0x9;
	_ =	strace $0x80000048  }
0xb3: {  	_ =	swait.ge [sflag:s29], $0x1  }
0xb4: {  	[sflag:s29] =	ssyncadd.s32 $0xFFFFFFFF  }
0xb5: {  	_ =	strace $0x90000048  }
0xb6: {  	_ =	sfence  }
0xb7: {  	s30 =	sld [smem:$0x0];
	_ =	sdelay $0x2  }
0xb8: {  	s31 =	sshll.u32 s1, $0xD;
	s1 =	sshrl.u32 s1, $0x2  }
0xb9: {  	s3 =	sand.u32 $0x4000, s31;
	s1 =	sadd.s32 s1, s30  }
0xba: {  	s0 =	sor.u32 s3, s0;
	s1 =	sshll.u32 s1, $0x11  }
0xbb: {  	s0 =	sor.u32 s1, s0  }
0xbc: {  	s0 =	sadd.s32 $0x8F2B, s0  }
0xbd: {  	[sflag:s0] =	ssyncadd.remote.s32 $0x1  }
0xbe: {  	_ =	sfence.sel $0xFFFF  }
0xbf: {  	[dreg:$0x0] =	wrdreg $0xFFFFFFFF;
	(pc) =	sbr.abs _section_cstart, $3  }
0xc0: {  	[dreg:$0x1] =	wrdreg $0xFFFFFFFF  }
0xc1: {  	_ =	task.clear_ibuf [dreg:s7], $0x2FFFF;
	_ =	strace $0x9FFFFFFF  }
0xc2: {  	(tm) =	ssettm $0x7FFFFFFF  }
0xc3: {  	_ =	shalt  }
tec
execute0_lowered:
.L_overlay_start_1:
0x0: {  	(tag) =	ssettag $0x1  }
0x1: {  	s0 =	rddreg [dreg:$0x0]  }
0x2: {  	s1 =	srdreg.scid;
	s3 =	stileid.u32  }
0x3: {  	s2 =	rddreg [dreg:$0x1];
	s12 =	simm.s32 $0x5;
	s14 =	simm.s32 $0x80  }
0x4: {  	s20 =	simm.s32 $0x1;
	s21 =	simm.s32 $0xA800;
	s22 =	simm.s32 $0xAC00  }
0x5: {  	s23 =	simm.s32 $0xB000;
	s24 =	simm.s32 $0xB400;
	s25 =	simm.s32 $0x2  }
0x6: {  	s28 =	simm.s32 $0xBC00;
	s29 =	simm.s32 $0xC000;
	s30 =	simm.s32 $0xC400  }
0x7: {  	s31 =	simm.s32 $0x3;
	s1 =	sand.u32 $0x1, s1;
	s4 =	sshll.u32 s3, $0x1  }
0x8: {  	s3 =	simm.s32 $0x0;
	s5 =	sadd.s32 $0x3FA600, s0;
	s8 =	sor.u32 s1, s4  }
0x9: {  	[smem:$0x7FF] =	sst s3;
	s1 =	ssub.s32 $0x2, s1;
	s4 =	sshll.u32 s8, $0x6  }
0xa: {  	v0 =	vlaneseq.u32;
	_ =	strace $0x80000047;
	s6 =	sshrl.u32 s1, $0x1;
	s8 =	sshll.u32 s8, $0xC  }
0xb: {  	v0 =	vmul.u32 $0x80, v0;
	s7 =	sadd.s32 s4, s0;
	s4 =	sadd.s32 $0x1A600, s0;
	s26 =	ssub.s32 s1, s6  }
0xc: {  	s1 =	simm.s32 $0x4;
	s0 =	simm.s32 $0x0;
	s6 =	sadd.s32 $0x600, s7  }
0xd: {  	v1 =	vor.u32 $0x800, v0;
	s7 =	sadd.s32 $0xD600, s7;
	s9 =	smax.u32 s26, $0x1;
	s26 =	simm.s32 $0xB800  }
.LBB2_1:
0xe: {  	s10 =	simm.s32 $0x200;
	s11 =	simm.s32 $0x4000  }
0xf: {  	[tilespmem:s3], [sflag:$0x5] =	stream.strided.gather [hbm4b:s6+s10], $0x3400, s11, s10, $0x38;
	[tilespmem:$0xC800] =	vst v63  }
0x10: {  	_ =	swait.ge [sflag:s12], $0x3400  }
0x11: {  	[sflag:s12] =	ssyncset.done $0x0  }
0x12: {  	s13 =	simm.s32 $0x3400;
	[sflag:s12] =	ssyncadd.s32 $0xFFFFCC00  }
0x13: {  	[tilespmem:s13], [sflag:$0x5] =	stream.strided.gather [hbm4b:s7+s10], $0x3400, s11, s10, $0x38;
	[tilespmem:$0xC800] =	vst v63  }
0x14: {  	_ =	swait.ge [sflag:s12], $0x3400  }
0x15: {  	[sflag:s12] =	ssyncset.done $0x0  }
0x16: {  	s15 =	simm.s32 $0x6800;
	[sflag:s12] =	ssyncadd.s32 $0xFFFFCC00  }
0x17: {  	[tilespmem:s15], [sflag:$0x1] =	stream.indirect.gather [hbm4b:s4+s14], $0x20, s3, s14, $0xb8;
	[tilespmem:$0xC800] =	vst v63  }
0x18: {  	s16 =	simm.s32 $0x8800  }
0x19: {  	[tilespmem:s16], [sflag:$0x1] =	stream.indirect.gather [hbm4b:s5+s14], $0x20, s13, s14, $0xb8;
	[tilespmem:$0xC800] =	vst v63  }
0x1a: {  	s17 =	simm.s32 $0x7800  }
0x1b: {  	[tilespmem:s17], [sflag:$0x2] =	stream.indirect.gather [hbm4b:s4+s14], $0x20, s14, s14, $0xb8;
	[tilespmem:$0xC800] =	vst v63  }
0x1c: {  	s18 =	simm.s32 $0x3480;
	s19 =	simm.s32 $0x9800;
	s15 =	simm.s32 $0x0  }
0x1d: {  	[tilespmem:s19], [sflag:$0x2] =	stream.indirect.gather [hbm4b:s5+s14], $0x20, s18, s14, $0xb8;
	[tilespmem:$0xC800] =	vst v63  }
.LBB2_2:
0x1e: {  	_ =	swait.ge [sflag:s20], $0x1000  }
0x1f: {  	[sflag:s20] =	ssyncset.done $0x0  }
0x20: {  	[sflag:s20] =	ssyncadd.s32 $0xFFFFF000  }
0x21: {  	_ =	swait.ge [sflag:s20], $0x1000  }
0x22: {  	p0 =	seq.s32 s15, $0x0;
	[sflag:s20] =	ssyncset.done $0x0  }
0x23: {  	s10 =	simm.s32 @!p0 $0x3;
	[sflag:s20] =	ssyncadd.s32 $0xFFFFF000  }
0x24: {  	_ =	swait.ge @!p0 [sflag:s10], $0x1000  }
0x25: {  	s11 =	simm.s32 $0x0;
	[sflag:s10] =	ssyncset.done @!p0 $0x0  }
0x26: {  	s16 =	simm.s32 $0x8840;
	v2 =	vmov s11;
	[sflag:s10] =	ssyncadd.s32 @!p0 $0xFFFFF000  }
0x27: {  	s17 =	simm.s32 $0x6840;
	v2 =	vand.u32 $0x7C, v2;
	v3 =	vld [tilespmem:s16+$0xFFFFFFC0]  }
0x28: {  	v2 =	vbroadcast v2, $0x0;
	v4 =	vld [tilespmem:s17+$0xFFFFFFC0];
	_ =	sdelay $0x1  }
0x29: {  	v5 =	vor.u32 v0, v2;
	_ =	sdelay $0x2  }
0x2a: {  	v3 =	vmul.f32 v3, v4;
	_ =	sdelay $0x1  }
0x2b: {  	[tilespmem:v5+s21+$0x0] =	vst.idx.msk $0xffff, v3  }
0x2c: {  	v3 =	vld [tilespmem:s17+$0xFFFFFFD0]  }
0x2d: {  	v4 =	vld [tilespmem:s16+$0xFFFFFFD0];
	_ =	sdelay $0x1  }
0x2e: {  	v2 =	vor.u32 v1, v2;
	_ =	sdelay $0x2  }
0x2f: {  	v3 =	vmul.f32 v4, v3  }
0x30: {  	s11 =	simm.s32 $0x1  }
0x31: {  	v4 =	vmov s11;
	[tilespmem:v2+s21+$0x0] =	vst.idx.msk $0xffff, v3  }
0x32: {  	v2 =	vand.u32 $0x7D, v4;
	v3 =	vld [tilespmem:s17+$0xFFFFFFE0]  }
0x33: {  	v2 =	vbroadcast v2, $0x0;
	v4 =	vld [tilespmem:s16+$0xFFFFFFE0];
	_ =	sdelay $0x1  }
0x34: {  	v5 =	vor.u32 v0, v2;
	_ =	sdelay $0x2  }
0x35: {  	v3 =	vmul.f32 v4, v3;
	_ =	sdelay $0x1  }
0x36: {  	[tilespmem:v5+s21+$0x0] =	vst.idx.msk $0xffff, v3  }
0x37: {  	v3 =	vld [tilespmem:s17+$0xFFFFFFF0]  }
0x38: {  	v4 =	vld [tilespmem:s16+$0xFFFFFFF0];
	_ =	sdelay $0x1  }
0x39: {  	v2 =	vor.u32 v1, v2;
	_ =	sdelay $0x2  }
0x3a: {  	v3 =	vmul.f32 v4, v3  }
0x3b: {  	s13 =	simm.s32 $0x2  }
0x3c: {  	v4 =	vmov s13;
	[tilespmem:v2+s21+$0x0] =	vst.idx.msk $0xffff, v3  }
0x3d: {  	v2 =	vand.u32 $0x7E, v4;
	v3 =	vld [tilespmem:s17+$0x0]  }
0x3e: {  	v2 =	vbroadcast v2, $0x0;
	v4 =	vld [tilespmem:s16+$0x0];
	_ =	sdelay $0x1  }
0x3f: {  	v5 =	vor.u32 v0, v2;
	_ =	sdelay $0x2  }
0x40: {  	v3 =	vmul.f32 v4, v3;
	_ =	sdelay $0x1  }
0x41: {  	[tilespmem:v5+s21+$0x0] =	vst.idx.msk $0xffff, v3  }
0x42: {  	v3 =	vld [tilespmem:s17+$0x10]  }
0x43: {  	v4 =	vld [tilespmem:s16+$0x10];
	_ =	sdelay $0x1  }
0x44: {  	v2 =	vor.u32 v1, v2;
	_ =	sdelay $0x2  }
0x45: {  	v3 =	vmul.f32 v4, v3  }
0x46: {  	s18 =	simm.s32 $0x3  }
0x47: {  	v4 =	vmov s18;
	[tilespmem:v2+s21+$0x0] =	vst.idx.msk $0xffff, v3  }
0x48: {  	v2 =	vand.u32 $0x7F, v4;
	v3 =	vld [tilespmem:s17+$0x20]  }
0x49: {  	v2 =	vbroadcast v2, $0x0;
	v4 =	vld [tilespmem:s16+$0x20];
	_ =	sdelay $0x1  }
0x4a: {  	v5 =	vor.u32 v0, v2;
	_ =	sdelay $0x2  }
0x4b: {  	v3 =	vmul.f32 v4, v3  }
0x4c: {  	s19 =	sshll.u32 s15, $0xB  }
0x4d: {  	s10 =	sand.u32 $0x800, s19;
	[tilespmem:v5+s21+$0x0] =	vst.idx.msk $0xffff, v3  }
0x4e: {  	s19 =	simm.s32 $0x4;
	s18 =	sor.u32 s8, s10;
	v2 =	vor.u32 v1, v2;
	v3 =	vld [tilespmem:s17+$0x30]  }
.LBB2_3:
0x4f: {  	p1 =	slt.u32 s19, $0x7C;
	v4 =	vld [tilespmem:s16+$0x30];
	s16 =	sadd.s32 $0x80, s16;
	s17 =	sadd.s32 $0x80, s17  }
0x50: {  	s10 =	smov.u32 s19;
	s19 =	sadd.s32 $0x4, s19;
	_ =	sdelay $0x3  }
0x51: {  	v3 =	vmul.f32 v4, v3;
	_ =	sdelay $0x1  }
0x52: {  	v4 =	vmov s10;
	[tilespmem:v2+s21+$0x0] =	vst.idx.msk $0xffff, v3  }
0x53: {  	v3 =	vand.u32 $0x7C, v4;
	v2 =	vld [tilespmem:s16+$0xFFFFFFC0]  }
0x54: {  	v3 =	vbroadcast v3, $0x0;
	v4 =	vld [tilespmem:s17+$0xFFFFFFC0];
	_ =	sdelay $0x1  }
0x55: {  	v5 =	vor.u32 v0, v3;
	_ =	sdelay $0x2  }
0x56: {  	v2 =	vmul.f32 v2, v4;
	_ =	sdelay $0x1  }
0x57: {  	[tilespmem:v5+s21+$0x0] =	vst.idx.msk $0xffff, v2  }
0x58: {  	v2 =	vld [tilespmem:s17+$0xFFFFFFD0]  }
0x59: {  	v4 =	vld [tilespmem:s16+$0xFFFFFFD0]  }
0x5a: {  	v3 =	vor.u32 v1, v3;
	_ =	sdelay $0x2  }
0x5b: {  	s11 =	sadd.s32 $0x1, s10  }
0x5c: {  	v2 =	vmul.f32 v4, v2;
	v4 =	vmov s11  }
0x5d: {  	v4 =	vand.u32 $0x7D, v4  }
0x5e: {  	[tilespmem:v3+s21+$0x0] =	vst.idx.msk $0xffff, v2;
	v2 =	vbroadcast v4, $0x0  }
0x5f: {  	v3 =	vld [tilespmem:s17+$0xFFFFFFE0]  }
0x60: {  	v4 =	vld [tilespmem:s16+$0xFFFFFFE0];
	v5 =	vor.u32 v0, v2;
	_ =	sdelay $0x4  }
0x61: {  	v3 =	vmul.f32 v4, v3;
	_ =	sdelay $0x1  }
0x62: {  	[tilespmem:v5+s21+$0x0] =	vst.idx.msk $0xffff, v3  }
0x63: {  	v2 =	vor.u32 v1, v2;
	v3 =	vld [tilespmem:s17+$0xFFFFFFF0]  }
0x64: {  	v4 =	vld [tilespmem:s16+$0xFFFFFFF0];
	_ =	sdelay $0x1  }
0x65: {  	s11 =	sadd.s32 $0x2, s10  }
0x66: {  	v5 =	vmov s11  }
0x67: {  	v5 =	vand.u32 $0x7E, v5  }
0x68: {  	v3 =	vmul.f32 v4, v3;
	v4 =	vbroadcast v5, $0x0;
	_ =	sdelay $0x1  }
0x69: {  	[tilespmem:v2+s21+$0x0] =	vst.idx.msk $0xffff, v3;
	v2 =	vor.u32 v0, v4  }
0x6a: {  	v3 =	vld [tilespmem:s17+$0x0]  }
0x6b: {  	v5 =	vld [tilespmem:s16+$0x0];
	_ =	sdelay $0x4  }
0x6c: {  	v3 =	vmul.f32 v5, v3  }
0x6d: {  	v4 =	vor.u32 v1, v4  }
0x6e: {  	[tilespmem:v2+s21+$0x0] =	vst.idx.msk $0xffff, v3  }
0x6f: {  	v2 =	vld [tilespmem:s17+$0x10]  }
0x70: {  	s10 =	sadd.s32 $0x3, s10;
	v3 =	vld [tilespmem:s16+$0x10]  }
0x71: {  	v5 =	vmov s10  }
0x72: {  	v5 =	vand.u32 $0x7F, v5  }
0x73: {  	v5 =	vbroadcast v5, $0x0;
	_ =	sdelay $0x1  }
0x74: {  	v2 =	vmul.f32 v3, v2;
	v3 =	vor.u32 v0, v5;
	_ =	sdelay $0x1  }
0x75: {  	[tilespmem:v4+s21+$0x0] =	vst.idx.msk $0xffff, v2  }
0x76: {  	v4 =	vld [tilespmem:s17+$0x20]  }
0x77: {  	v6 =	vld [tilespmem:s16+$0x20];
	_ =	sdelay $0x3  }
.Ltmp0:
0x78: {  	v2 =	vor.u32 v1, v5;
	(pc) =	sbr.rel @p1 .LBB2_3-.Ltmp0, $3  }
0x79: {  	v4 =	vmul.f32 v6, v4;
	_ =	sdelay $0x1  }
0x7a: {  	[tilespmem:v3+s21+$0x0] =	vst.idx.msk $0xffff, v4  }
0x7b: {  	v3 =	vld [tilespmem:s17+$0x30]  }
0x7c: {  	v4 =	vld [tilespmem:s16+$0x30];
	_ =	sdelay $0x4  }
0x7d: {  	p1 =	seq.s32 s15, $0x33;
	v3 =	vmul.f32 v4, v3  }
0x7e: {  	s17 =	sshll.u32 @!p1 s15, $0x8  }
0x7f: {  	s11 =	simm.s32 @!p1 $0x80;
	s16 =	simm.s32 @!p1 $0x6800;
	s10 =	sadd.s32 @!p1 $0x100, s17;
	[tilespmem:v2+s21+$0x0] =	vst.idx.msk $0xffff, v3  }
0x80: {  	[tilespmem:s16], [sflag:$0x1] =	stream.indirect.gather @!p1 [hbm4b:s4+s11], $0x20, s10, s11, $0xb8;
	[tilespmem:$0xC800] =	vst v63  }
0x81: {  	s10 =	sadd.s32 @!p1 $0x3500, s17;
	s16 =	simm.s32 @!p1 $0x8800  }
0x82: {  	[tilespmem:s16], [sflag:$0x1] =	stream.indirect.gather @!p1 [hbm4b:s5+s11], $0x20, s10, s11, $0xb8;
	[tilespmem:$0xC800] =	vst v63  }
0x83: {  	s11 =	sshll.u32 s15, $0x12  }
0x84: {  	s10 =	sand.u32 $0xF80000, s11  }
0x85: {  	s10 =	sor.u32 s10, s18  }
0x86: {  	s16 =	sshrl.u32 s10, $0x3  }
0x87: {  	s10 =	sadd.s32 s2, s16  }
0x88: {  	[hbm4b:s10+s3] =	stream.linear.scatter [tilespmem:s21], [sflag:$0x3], $0x400, $0x38;
	[tilespmem:$0xC800] =	vst v63  }
0x89: {  	s13 =	sadd.s32 $0x4000, s10  }
0x8a: {  	[hbm4b:s13+s3] =	stream.linear.scatter [tilespmem:s22], [sflag:$0x3], $0x400, $0x38;
	[tilespmem:$0xC800] =	vst v63  }
0x8b: {  	s18 =	sadd.s32 $0x8000, s10  }
0x8c: {  	[hbm4b:s18+s3] =	stream.linear.scatter [tilespmem:s23], [sflag:$0x3], $0x400, $0x38;
	[tilespmem:$0xC800] =	vst v63  }
0x8d: {  	s10 =	sadd.s32 $0xC000, s10  }
0x8e: {  	[hbm4b:s10+s3] =	stream.linear.scatter [tilespmem:s24], [sflag:$0x3], $0x400, $0x38;
	[tilespmem:$0xC800] =	vst v63  }
0x8f: {  	_ =	swait.ge [sflag:s25], $0x1000  }
0x90: {  	[sflag:s25] =	ssyncset.done $0x0  }
0x91: {  	[sflag:s25] =	ssyncadd.s32 $0xFFFFF000  }
0x92: {  	_ =	swait.ge [sflag:s25], $0x1000  }
0x93: {  	[sflag:s25] =	ssyncset.done $0x0  }
0x94: {  	s10 =	simm.s32 @!p0 $0x4;
	[sflag:s25] =	ssyncadd.s32 $0xFFFFF000  }
0x95: {  	_ =	swait.ge @!p0 [sflag:s10], $0x1000  }
0x96: {  	s19 =	simm.s32 $0x0;
	[sflag:s10] =	ssyncset.done @!p0 $0x0  }
0x97: {  	v2 =	vmov s19;
	s18 =	simm.s32 $0x9840;
	[sflag:s10] =	ssyncadd.s32 @!p0 $0xFFFFF000  }
0x98: {  	s19 =	simm.s32 $0x7840;
	v2 =	vand.u32 $0x7C, v2;
	v3 =	vld [tilespmem:s18+$0xFFFFFFC0]  }
0x99: {  	v2 =	vbroadcast v2, $0x0;
	v4 =	vld [tilespmem:s19+$0xFFFFFFC0];
	_ =	sdelay $0x1  }
0x9a: {  	v5 =	vor.u32 v0, v2;
	_ =	sdelay $0x2  }
0x9b: {  	v3 =	vmul.f32 v3, v4;
	_ =	sdelay $0x1  }
0x9c: {  	[tilespmem:v5+s26+$0x0] =	vst.idx.msk $0xffff, v3  }
0x9d: {  	v3 =	vld [tilespmem:s19+$0xFFFFFFD0]  }
0x9e: {  	v4 =	vld [tilespmem:s18+$0xFFFFFFD0];
	_ =	sdelay $0x1  }
0x9f: {  	v2 =	vor.u32 v1, v2;
	_ =	sdelay $0x2  }
0xa0: {  	v3 =	vmul.f32 v4, v3  }
0xa1: {  	s13 =	simm.s32 $0x1  }
0xa2: {  	v4 =	vmov s13;
	[tilespmem:v2+s26+$0x0] =	vst.idx.msk $0xffff, v3  }
0xa3: {  	v2 =	vand.u32 $0x7D, v4;
	v3 =	vld [tilespmem:s19+$0xFFFFFFE0]  }
0xa4: {  	v2 =	vbroadcast v2, $0x0;
	v4 =	vld [tilespmem:s18+$0xFFFFFFE0];
	_ =	sdelay $0x1  }
0xa5: {  	v5 =	vor.u32 v0, v2;
	_ =	sdelay $0x2  }
0xa6: {  	v3 =	vmul.f32 v4, v3;
	_ =	sdelay $0x1  }
0xa7: {  	[tilespmem:v5+s26+$0x0] =	vst.idx.msk $0xffff, v3  }
0xa8: {  	v3 =	vld [tilespmem:s19+$0xFFFFFFF0]  }
0xa9: {  	v4 =	vld [tilespmem:s18+$0xFFFFFFF0];
	_ =	sdelay $0x1  }
0xaa: {  	v2 =	vor.u32 v1, v2;
	_ =	sdelay $0x2  }
0xab: {  	v3 =	vmul.f32 v4, v3  }
0xac: {  	s11 =	simm.s32 $0x2  }
0xad: {  	v4 =	vmov s11;
	[tilespmem:v2+s26+$0x0] =	vst.idx.msk $0xffff, v3  }
0xae: {  	v2 =	vand.u32 $0x7E, v4;
	v3 =	vld [tilespmem:s19+$0x0]  }
0xaf: {  	v2 =	vbroadcast v2, $0x0;
	v4 =	vld [tilespmem:s18+$0x0];
	_ =	sdelay $0x1  }
0xb0: {  	v5 =	vor.u32 v0, v2;
	_ =	sdelay $0x2  }
0xb1: {  	v3 =	vmul.f32 v4, v3;
	_ =	sdelay $0x1  }
0xb2: {  	[tilespmem:v5+s26+$0x0] =	vst.idx.msk $0xffff, v3  }
0xb3: {  	v3 =	vld [tilespmem:s19+$0x10]  }
0xb4: {  	v4 =	vld [tilespmem:s18+$0x10];
	_ =	sdelay $0x1  }
0xb5: {  	v2 =	vor.u32 v1, v2;
	_ =	sdelay $0x2  }
0xb6: {  	v3 =	vmul.f32 v4, v3  }
0xb7: {  	s13 =	simm.s32 $0x3  }
0xb8: {  	v4 =	vmov s13;
	[tilespmem:v2+s26+$0x0] =	vst.idx.msk $0xffff, v3  }
0xb9: {  	v2 =	vand.u32 $0x7F, v4;
	v3 =	vld [tilespmem:s19+$0x20]  }
0xba: {  	v2 =	vbroadcast v2, $0x0;
	v4 =	vld [tilespmem:s18+$0x20];
	_ =	sdelay $0x1  }
0xbb: {  	v5 =	vor.u32 v0, v2;
	_ =	sdelay $0x2  }
0xbc: {  	v3 =	vmul.f32 v4, v3;
	_ =	sdelay $0x1  }
0xbd: {  	[tilespmem:v5+s26+$0x0] =	vst.idx.msk $0xffff, v3  }
0xbe: {  	s10 =	simm.s32 $0x4;
	v2 =	vor.u32 v1, v2;
	v3 =	vld [tilespmem:s19+$0x30]  }
.LBB2_5:
0xbf: {  	p0 =	slt.u32 s10, $0x7C;
	v4 =	vld [tilespmem:s18+$0x30];
	s18 =	sadd.s32 $0x80, s18;
	s19 =	sadd.s32 $0x80, s19  }
0xc0: {  	s11 =	smov.u32 s10;
	s10 =	sadd.s32 $0x4, s10;
	_ =	sdelay $0x3  }
0xc1: {  	v3 =	vmul.f32 v4, v3;
	_ =	sdelay $0x1  }
0xc2: {  	v4 =	vmov s11;
	[tilespmem:v2+s26+$0x0] =	vst.idx.msk $0xffff, v3  }
0xc3: {  	v3 =	vand.u32 $0x7C, v4;
	v2 =	vld [tilespmem:s18+$0xFFFFFFC0]  }
0xc4: {  	v3 =	vbroadcast v3, $0x0;
	v4 =	vld [tilespmem:s19+$0xFFFFFFC0];
	_ =	sdelay $0x1  }
0xc5: {  	v5 =	vor.u32 v0, v3;
	_ =	sdelay $0x2  }
0xc6: {  	v2 =	vmul.f32 v2, v4;
	_ =	sdelay $0x1  }
0xc7: {  	[tilespmem:v5+s26+$0x0] =	vst.idx.msk $0xffff, v2  }
0xc8: {  	v2 =	vld [tilespmem:s19+$0xFFFFFFD0]  }
0xc9: {  	v4 =	vld [tilespmem:s18+$0xFFFFFFD0]  }
0xca: {  	v3 =	vor.u32 v1, v3;
	_ =	sdelay $0x2  }
0xcb: {  	s13 =	sadd.s32 $0x1, s11  }
0xcc: {  	v2 =	vmul.f32 v4, v2;
	v4 =	vmov s13  }
0xcd: {  	v4 =	vand.u32 $0x7D, v4  }
0xce: {  	[tilespmem:v3+s26+$0x0] =	vst.idx.msk $0xffff, v2;
	v2 =	vbroadcast v4, $0x0  }
0xcf: {  	v3 =	vld [tilespmem:s19+$0xFFFFFFE0]  }
0xd0: {  	v4 =	vld [tilespmem:s18+$0xFFFFFFE0];
	v5 =	vor.u32 v0, v2;
	_ =	sdelay $0x4  }
0xd1: {  	v3 =	vmul.f32 v4, v3;
	_ =	sdelay $0x1  }
0xd2: {  	[tilespmem:v5+s26+$0x0] =	vst.idx.msk $0xffff, v3  }
0xd3: {  	v2 =	vor.u32 v1, v2;
	v3 =	vld [tilespmem:s19+$0xFFFFFFF0]  }
0xd4: {  	v4 =	vld [tilespmem:s18+$0xFFFFFFF0];
	_ =	sdelay $0x1  }
0xd5: {  	s13 =	sadd.s32 $0x2, s11  }
0xd6: {  	v5 =	vmov s13  }
0xd7: {  	v5 =	vand.u32 $0x7E, v5  }
0xd8: {  	v3 =	vmul.f32 v4, v3;
	v4 =	vbroadcast v5, $0x0;
	_ =	sdelay $0x1  }
0xd9: {  	[tilespmem:v2+s26+$0x0] =	vst.idx.msk $0xffff, v3;
	v2 =	vor.u32 v0, v4  }
0xda: {  	v3 =	vld [tilespmem:s19+$0x0]  }
0xdb: {  	v5 =	vld [tilespmem:s18+$0x0];
	_ =	sdelay $0x4  }
0xdc: {  	v3 =	vmul.f32 v5, v3  }
0xdd: {  	v4 =	vor.u32 v1, v4  }
0xde: {  	[tilespmem:v2+s26+$0x0] =	vst.idx.msk $0xffff, v3  }
0xdf: {  	v2 =	vld [tilespmem:s19+$0x10]  }
0xe0: {  	s11 =	sadd.s32 $0x3, s11;
	v3 =	vld [tilespmem:s18+$0x10]  }
0xe1: {  	v5 =	vmov s11  }
0xe2: {  	v5 =	vand.u32 $0x7F, v5  }
0xe3: {  	v5 =	vbroadcast v5, $0x0;
	_ =	sdelay $0x1  }
0xe4: {  	v2 =	vmul.f32 v3, v2;
	v3 =	vor.u32 v0, v5;
	_ =	sdelay $0x1  }
0xe5: {  	[tilespmem:v4+s26+$0x0] =	vst.idx.msk $0xffff, v2  }
0xe6: {  	v4 =	vld [tilespmem:s19+$0x20]  }
0xe7: {  	v6 =	vld [tilespmem:s18+$0x20];
	_ =	sdelay $0x3  }
.Ltmp1:
0xe8: {  	v2 =	vor.u32 v1, v5;
	(pc) =	sbr.rel @p0 .LBB2_5-.Ltmp1, $3  }
0xe9: {  	v4 =	vmul.f32 v6, v4;
	_ =	sdelay $0x1  }
0xea: {  	[tilespmem:v3+s26+$0x0] =	vst.idx.msk $0xffff, v4  }
0xeb: {  	v3 =	vld [tilespmem:s19+$0x30]  }
0xec: {  	v4 =	vld [tilespmem:s18+$0x30];
	_ =	sdelay $0x4  }
0xed: {  	v3 =	vmul.f32 v4, v3;
	_ =	sdelay $0x1  }
0xee: {  	s10 =	sadd.s32 @!p1 $0x180, s17;
	s11 =	simm.s32 @!p1 $0x80;
	s13 =	simm.s32 @!p1 $0x7800;
	[tilespmem:v2+s26+$0x0] =	vst.idx.msk $0xffff, v3  }
0xef: {  	[tilespmem:s13], [sflag:$0x2] =	stream.indirect.gather @!p1 [hbm4b:s4+s11], $0x20, s10, s11, $0xb8;
	[tilespmem:$0xC800] =	vst v63  }
0xf0: {  	s10 =	sadd.s32 @!p1 $0x3580, s17;
	s13 =	simm.s32 @!p1 $0x9800  }
0xf1: {  	[tilespmem:s13], [sflag:$0x2] =	stream.indirect.gather @!p1 [hbm4b:s5+s11], $0x20, s10, s11, $0xb8;
	[tilespmem:$0xC800] =	vst v63  }
0xf2: {  	s13 =	sadd.s32 s16, s2  }
0xf3: {  	s15 =	sadd.s32 $0x1, s15;
	s17 =	sor.u32 $0x4080, s16;
	s10 =	sadd.s32 $0x80, s13  }
0xf4: {  	[hbm4b:s10+s3] =	stream.linear.scatter [tilespmem:s26], [sflag:$0x4], $0x400, $0x38;
	[tilespmem:$0xC800] =	vst v63  }
0xf5: {  	p0 =	sne.s32 s15, $0x34;
	s10 =	sadd.s32 s2, s17  }
0xf6: {  	[hbm4b:s10+s3] =	stream.linear.scatter [tilespmem:s28], [sflag:$0x4], $0x400, $0x38;
	[tilespmem:$0xC800] =	vst v63  }
.Ltmp2:
0xf7: {  	s18 =	sor.u32 $0x8080, s16;
	(pc) =	sbr.rel @p0 .LBB2_2-.Ltmp2, $4  }
0xf8: {  	s19 =	sor.u32 $0xC080, s16;
	s10 =	sadd.s32 s2, s18  }
0xf9: {  	[hbm4b:s10+s3] =	stream.linear.scatter [tilespmem:s29], [sflag:$0x4], $0x400, $0x38;
	[tilespmem:$0xC800] =	vst v63  }
0xfa: {  	s10 =	sadd.s32 s2, s19  }
0xfb: {  	[hbm4b:s10+s3] =	stream.linear.scatter [tilespmem:s30], [sflag:$0x4], $0x400, $0x38;
	[tilespmem:$0xC800] =	vst v63  }
0xfc: {  	s0 =	sadd.s32 $0x1, s0  }
0xfd: {  	_ =	swait.ge [sflag:s31], $0x1000;
	p0 =	sne.s32 s0, s9  }
.Ltmp3:
0xfe: {  	[sflag:s31] =	ssyncset.done $0x0;
	(pc) =	sbr.rel @p0 .LBB2_1-.Ltmp3, $4  }
0xff: {  	[sflag:s31] =	ssyncadd.s32 $0xFFFFF000  }
0x100: {  	_ =	swait.ge [sflag:s1], $0x1000  }
0x101: {  	[sflag:s1] =	ssyncset.done $0x0  }
0x102: {  	[sflag:s1] =	ssyncadd.s32 $0xFFFFF000  }
0x103: {  	_ =	sfence.sel $0x180000  }
0x104: {  	[bflag:$0x0] =	sbarrier.arrive $0xFFFF  }
0x105: {  	_ =	strace $0x90000047  }
0x106: {  	s0 =	stileid.u32;
	[bflag:$0x2] =	sbarrier.arrive $0xFFFF  }
0x107: {  	p0 =	sne.s32 s0, $0x0;
	s0 =	rddreg [dreg:$0x2]  }
0x108: {  	s0 =	sadd.s32 @!p0 $0x100000, s0  }
0x109: {  	[sflag:s0] =	ssyncadd.tile.s32 @!p0 $0x1;
	_ =	shalt  }
.Lfunc_end2:
_tile_overlayer_lowered:
.L_overlay_start_2:
0x10a: {  	(tag) =	ssettag $0x2  }
0x10b: {  	s0 =	rddreg [dreg:$0x0];
	s2 =	stileid.u32  }
0x10c: {  	s1 =	rddreg [dreg:$0x1];
	p0 =	sne.s32 s2, $0x0  }
0x10d: {  	s3 =	rddreg [dreg:$0x2];
	[bflag:$0x3] =	sbarrier.arrive $0xFFFF;
	s2 =	simm.s32 @!p0 $0x1C05  }
0x10e: {  	[timem:s3], [sflag:s2] =	dma.local @!p0 [hbm:s0], s1  }
0x10f: {  	s0 =	simm.s32 @!p0 $0x5  }
0x110: {  	_ =	swait.ge @!p0 [sflag:s0], s1  }
0x111: {  	s1 =	ssub.s32 @!p0 $0x0, s1;
	[sflag:s0] =	ssyncset.done @!p0 $0x0  }
0x112: {  	[sflag:s0] =	ssyncadd.s32 @!p0 s1  }
0x113: {  	[bflag:$0x3] =	sbarrier.arrive $0xFFFF  }
0x114: {  	_ =	shalt  }

</sc_bundles>
